<compile_context>
chip_gen: v7x
topology: tpu7x:2x2x1
jax: 0.10.2.dev20260603
libtpu: 0.0.44.dev20260713+nightly
codegen_flags: <defaults>
</compile_context>

<pallas_src>
import functools

import jax
import jax.numpy as jnp
from jax import lax
from jax.experimental import pallas as pl
from jax.experimental.pallas import tpu as pltpu
from jax.experimental.pallas import tpu_sc as plsc

NC = 2
NS = 16
NW = NC * NS
NBUF = 8


@functools.partial(jax.jit, static_argnames=("b", "h", "hp", "d"))
def _sc_gather(idx2_flat, pe, b, h, hp, d):
    batches_per_w = b // NW
    rounds = batches_per_w // NBUF
    idx_per_w = batches_per_w * hp
    mesh = plsc.VectorSubcoreMesh(core_axis_name="c", subcore_axis_name="s")

    @functools.partial(
        pl.kernel,
        mesh=mesh,
        out_type=jax.ShapeDtypeStruct((b, h, d), jnp.float32),
        scratch_types=[
            pltpu.VMEM((idx_per_w,), jnp.int32),
            pltpu.VMEM((NBUF, h, d), jnp.float32),
        ]
        + [pltpu.SemaphoreType.DMA] * (2 * NBUF),
    )
    def k(idx_hbm, table_hbm, out_hbm, idx_v, rows_v, *sems):
        gsem = sems[:NBUF]
        wsem = sems[NBUF:]
        wid = lax.axis_index("c") * NS + lax.axis_index("s")
        batch0 = wid * batches_per_w

        pltpu.sync_copy(idx_hbm.at[pl.ds(wid * idx_per_w, idx_per_w)], idx_v)

        def start_gather(j, bf):
            pltpu.async_copy(
                table_hbm.at[idx_v.at[pl.ds(j * hp, h)]], rows_v.at[bf], gsem[bf]
            )

        def wait_gather(j, bf):
            pltpu.make_async_copy(
                table_hbm.at[idx_v.at[pl.ds(j * hp, h)]], rows_v.at[bf], gsem[bf]
            ).wait()

        def start_write(j, bf):
            pltpu.async_copy(rows_v.at[bf], out_hbm.at[batch0 + j], wsem[bf])

        def wait_write(j, bf):
            pltpu.make_async_copy(
                rows_v.at[bf], out_hbm.at[batch0 + j], wsem[bf]
            ).wait()

        for bf in range(NBUF):
            start_gather(bf, bf)

        def body(r, carry):
            j0 = r * NBUF
            for bf in range(NBUF):
                wait_gather(j0 + bf, bf)
                start_write(j0 + bf, bf)
            for bf in range(NBUF):
                wait_write(j0 + bf, bf)
                start_gather(j0 + NBUF + bf, bf)
            return carry

        lax.fori_loop(0, rounds - 1, body, 0)

        j0 = (rounds - 1) * NBUF
        for bf in range(NBUF):
            wait_gather(j0 + bf, bf)
            start_write(j0 + bf, bf)
        for bf in range(NBUF):
            wait_write(j0 + bf, bf)

    return k(idx2_flat, pe)


def kernel(timestamps, pe):
    b, h = timestamps.shape
    d = pe.shape[1]
    hp = (h + 7) // 8 * 8
    ts = jnp.clip(timestamps, 0, pe.shape[0] - 1)
    idx2 = jnp.pad(ts, ((0, 0), (0, hp - h)), mode="edge")
    return _sc_gather(idx2.reshape(-1), pe, b, h, hp, d)

# --- scband reference (transcript-rebuilt; emitter-appended) ---
"""Pipeline reference for scband-positional-time-encoder-16501264351466 (READ-ONLY COPY).

The authoritative reference and input builder live on the scoring server;
editing this copy changes nothing except your own understanding.
"""

import math
import jax, jax.numpy as jnp
import numpy as np

TIME_DIM = 128
MAX_TIME = 10000.0
BATCH = 4096
HIST = 50

def _build_pe():
    max_t = int(MAX_TIME)
    pe = np.zeros((max_t, TIME_DIM), dtype=np.float32)
    position = np.arange(0, MAX_TIME, dtype=np.float32)[:, None]
    div_term = np.exp(np.arange(0, TIME_DIM, 2, dtype=np.float32) * (-math.log(10000.0) / TIME_DIM))
    pe[:, 0::2] = np.sin(position * div_term)
    pe[:, 1::2] = np.cos(position * div_term)
    return jnp.asarray(pe)

def setup_inputs(seed: int = 0) -> dict:
    key = jax.random.key(seed)
    timestamps = jax.random.randint(key, (BATCH, HIST), 0, 10000, dtype=jnp.int32)
    pe = _build_pe()
    return {"timestamps": timestamps, "pe": pe}

def reference(timestamps, pe):
    # torch.clamp(timestamps, 0, max_time - 1).long(); self.pe[timestamps]
    idx = jnp.clip(timestamps, 0, int(MAX_TIME) - 1).astype(jnp.int32)
    return jnp.take(pe, idx, axis=0)

if __name__ == "__main__":
    import jax
    _d = setup_inputs()
    print(jax.jit(kernel)(*tuple(_d.values())))

</pallas_src>

<mosaic_0001>
#map = affine_map<(d0, d1) -> (0)>
#map1 = affine_map<(d0, d1) -> (0, 0)>
#map2 = affine_map<(d0, d1) -> (0, 0, 0)>
module attributes {stable_mosaic.version = 14 : i64} {
  func.func @k(%arg0: i32, %arg1: i32, %arg2: memref<229376xi32, #tpu.memory_space<hbm>>, %arg3: memref<10000x128xf32, #tpu.memory_space<hbm>>, %arg4: memref<4096x50x128xf32, #tpu.memory_space<hbm>>, %arg5: memref<7168xi32, #tpu.memory_space<vmem>>, %arg6: memref<8x50x128xf32, #tpu.memory_space<vmem>>, %arg7: memref<!tpu.dma_semaphore, #tpu.memory_space<semaphore_mem>>, %arg8: memref<!tpu.dma_semaphore, #tpu.memory_space<semaphore_mem>>, %arg9: memref<!tpu.dma_semaphore, #tpu.memory_space<semaphore_mem>>, %arg10: memref<!tpu.dma_semaphore, #tpu.memory_space<semaphore_mem>>, %arg11: memref<!tpu.dma_semaphore, #tpu.memory_space<semaphore_mem>>, %arg12: memref<!tpu.dma_semaphore, #tpu.memory_space<semaphore_mem>>, %arg13: memref<!tpu.dma_semaphore, #tpu.memory_space<semaphore_mem>>, %arg14: memref<!tpu.dma_semaphore, #tpu.memory_space<semaphore_mem>>, %arg15: memref<!tpu.dma_semaphore, #tpu.memory_space<semaphore_mem>>, %arg16: memref<!tpu.dma_semaphore, #tpu.memory_space<semaphore_mem>>, %arg17: memref<!tpu.dma_semaphore, #tpu.memory_space<semaphore_mem>>, %arg18: memref<!tpu.dma_semaphore, #tpu.memory_space<semaphore_mem>>, %arg19: memref<!tpu.dma_semaphore, #tpu.memory_space<semaphore_mem>>, %arg20: memref<!tpu.dma_semaphore, #tpu.memory_space<semaphore_mem>>, %arg21: memref<!tpu.dma_semaphore, #tpu.memory_space<semaphore_mem>>, %arg22: memref<!tpu.dma_semaphore, #tpu.memory_space<semaphore_mem>>) attributes {dimension_semantics = [#tpu.dimension_semantics<core_parallel>, #tpu.dimension_semantics<subcore_parallel>], iteration_bounds = array<i64: 2, 16>, scalar_prefetch = 0 : i64, scratch_operands = 18 : i64, tpu.core_type = #tpu.core_type<sc_vector_subcore>, window_params = [{transform_indices = #map}, {transform_indices = #map1}, {transform_indices = #map2}]} {
    %mul3A = arith.constant 16 : i32
    %mul3A_0 = arith.muli %arg0, %mul3A : i32
    %add3A = arith.addi %mul3A_0, %arg1 : i32
    %mul3A_1 = arith.constant 128 : i32
    %mul3A_2 = arith.muli %add3A, %mul3A_1 : i32
    %mul3A_3 = arith.constant 7168 : i32
    %mul3A_4 = arith.muli %add3A, %mul3A_3 : i32
    "tpu.region"() ({
      %run_scoped3A = tpu.sem_alloc : memref<!tpu.dma_semaphore, #tpu.memory_space<semaphore_mem>>
      %dma_start3A_472 = tpu.memref_slice %arg2[%mul3A_4] : memref<229376xi32, #tpu.memory_space<hbm>> -> memref<7168xi32, #tpu.memory_space<hbm>>
      %dma_start3A_473 = tpu.memref_slice %arg2[%mul3A_4] : memref<229376xi32, #tpu.memory_space<hbm>> -> memref<7168xi32, #tpu.memory_space<hbm>>
      tpu.enqueue_dma source(%dma_start3A_473 : memref<7168xi32, #tpu.memory_space<hbm>>) target(%arg5 : memref<7168xi32, #tpu.memory_space<vmem>>) target_semaphore(%run_scoped3A : memref<!tpu.dma_semaphore, #tpu.memory_space<semaphore_mem>>)
      %dma_wait3A_474 = tpu.memref_slice %arg2[%mul3A_4] : memref<229376xi32, #tpu.memory_space<hbm>> -> memref<7168xi32, #tpu.memory_space<hbm>>
      %dma_wait3A_475 = tpu.memref_slice %arg2[%mul3A_4] : memref<229376xi32, #tpu.memory_space<hbm>> -> memref<7168xi32, #tpu.memory_space<hbm>>
      tpu.wait_dma2 semaphore(%run_scoped3A : memref<!tpu.dma_semaphore, #tpu.memory_space<semaphore_mem>>) src(%dma_wait3A_475 : memref<7168xi32, #tpu.memory_space<hbm>>) dst(%arg5 : memref<7168xi32, #tpu.memory_space<vmem>>)
      tpu.yield
    }) : () -> ()
    %dma_start3A = arith.constant 0 : i32
    %dma_start3A_5 = arith.constant 0 : i32
    %dma_start3A_6 = arith.constant 0 : i32
    %dma_start3A_7 = tpu.memref_slice %arg6[%dma_start3A, %dma_start3A_5, %dma_start3A_6] : memref<8x50x128xf32, #tpu.memory_space<vmem>> -> memref<1x50x128xf32, #tpu.memory_space<vmem>>
    %dma_start3A_8 = tpu.memref_squeeze %dma_start3A_7 : memref<1x50x128xf32, #tpu.memory_space<vmem>> -> memref<50x128xf32, #tpu.memory_space<vmem>>
    %dma_start3A_9 = arith.constant 0 : i32
    %dma_start3A_10 = tpu.memref_slice %arg5[%dma_start3A_9] : memref<7168xi32, #tpu.memory_space<vmem>> -> memref<50xi32, #tpu.memory_space<vmem>>
    %dma_start3A_11 = arith.constant 0 : i32
    %dma_start3A_12 = arith.constant 0 : i32
    %dma_start3A_13 = tpu.memref_slice %arg3[%dma_start3A_11, %dma_start3A_12] : memref<10000x128xf32, #tpu.memory_space<hbm>> -> memref<10000x128xf32, #tpu.memory_space<hbm>>
    tpu.enqueue_indirect_dma source(%dma_start3A_13 : memref<10000x128xf32, #tpu.memory_space<hbm>>) target(%dma_start3A_8 : memref<50x128xf32, #tpu.memory_space<vmem>>) offsets(%dma_start3A_10 : memref<50xi32, #tpu.memory_space<vmem>>) semaphore(%arg7 : memref<!tpu.dma_semaphore, #tpu.memory_space<semaphore_mem>>)
    %dma_start3A_14 = arith.constant 1 : i32
    %dma_start3A_15 = arith.constant 0 : i32
    %dma_start3A_16 = arith.constant 0 : i32
    %dma_start3A_17 = tpu.memref_slice %arg6[%dma_start3A_14, %dma_start3A_15, %dma_start3A_16] : memref<8x50x128xf32, #tpu.memory_space<vmem>> -> memref<1x50x128xf32, #tpu.memory_space<vmem>>
    %dma_start3A_18 = tpu.memref_squeeze %dma_start3A_17 : memref<1x50x128xf32, #tpu.memory_space<vmem>> -> memref<50x128xf32, #tpu.memory_space<vmem>>
    %dma_start3A_19 = arith.constant 56 : i32
    %dma_start3A_20 = tpu.memref_slice %arg5[%dma_start3A_19] : memref<7168xi32, #tpu.memory_space<vmem>> -> memref<50xi32, #tpu.memory_space<vmem>>
    %dma_start3A_21 = arith.constant 0 : i32
    %dma_start3A_22 = arith.constant 0 : i32
    %dma_start3A_23 = tpu.memref_slice %arg3[%dma_start3A_21, %dma_start3A_22] : memref<10000x128xf32, #tpu.memory_space<hbm>> -> memref<10000x128xf32, #tpu.memory_space<hbm>>
    tpu.enqueue_indirect_dma source(%dma_start3A_23 : memref<10000x128xf32, #tpu.memory_space<hbm>>) target(%dma_start3A_18 : memref<50x128xf32, #tpu.memory_space<vmem>>) offsets(%dma_start3A_20 : memref<50xi32, #tpu.memory_space<vmem>>) semaphore(%arg8 : memref<!tpu.dma_semaphore, #tpu.memory_space<semaphore_mem>>)
    %dma_start3A_24 = arith.constant 2 : i32
    %dma_start3A_25 = arith.constant 0 : i32
    %dma_start3A_26 = arith.constant 0 : i32
    %dma_start3A_27 = tpu.memref_slice %arg6[%dma_start3A_24, %dma_start3A_25, %dma_start3A_26] : memref<8x50x128xf32, #tpu.memory_space<vmem>> -> memref<1x50x128xf32, #tpu.memory_space<vmem>>
    %dma_start3A_28 = tpu.memref_squeeze %dma_start3A_27 : memref<1x50x128xf32, #tpu.memory_space<vmem>> -> memref<50x128xf32, #tpu.memory_space<vmem>>
    %dma_start3A_29 = arith.constant 112 : i32
    %dma_start3A_30 = tpu.memref_slice %arg5[%dma_start3A_29] : memref<7168xi32, #tpu.memory_space<vmem>> -> memref<50xi32, #tpu.memory_space<vmem>>
    %dma_start3A_31 = arith.constant 0 : i32
    %dma_start3A_32 = arith.constant 0 : i32
    %dma_start3A_33 = tpu.memref_slice %arg3[%dma_start3A_31, %dma_start3A_32] : memref<10000x128xf32, #tpu.memory_space<hbm>> -> memref<10000x128xf32, #tpu.memory_space<hbm>>
    tpu.enqueue_indirect_dma source(%dma_start3A_33 : memref<10000x128xf32, #tpu.memory_space<hbm>>) target(%dma_start3A_28 : memref<50x128xf32, #tpu.memory_space<vmem>>) offsets(%dma_start3A_30 : memref<50xi32, #tpu.memory_space<vmem>>) semaphore(%arg9 : memref<!tpu.dma_semaphore, #tpu.memory_space<semaphore_mem>>)
    %dma_start3A_34 = arith.constant 3 : i32
    %dma_start3A_35 = arith.constant 0 : i32
    %dma_start3A_36 = arith.constant 0 : i32
    %dma_start3A_37 = tpu.memref_slice %arg6[%dma_start3A_34, %dma_start3A_35, %dma_start3A_36] : memref<8x50x128xf32, #tpu.memory_space<vmem>> -> memref<1x50x128xf32, #tpu.memory_space<vmem>>
    %dma_start3A_38 = tpu.memref_squeeze %dma_start3A_37 : memref<1x50x128xf32, #tpu.memory_space<vmem>> -> memref<50x128xf32, #tpu.memory_space<vmem>>
    %dma_start3A_39 = arith.constant 168 : i32
    %dma_start3A_40 = tpu.memref_slice %arg5[%dma_start3A_39] : memref<7168xi32, #tpu.memory_space<vmem>> -> memref<50xi32, #tpu.memory_space<vmem>>
    %dma_start3A_41 = arith.constant 0 : i32
    %dma_start3A_42 = arith.constant 0 : i32
    %dma_start3A_43 = tpu.memref_slice %arg3[%dma_start3A_41, %dma_start3A_42] : memref<10000x128xf32, #tpu.memory_space<hbm>> -> memref<10000x128xf32, #tpu.memory_space<hbm>>
    tpu.enqueue_indirect_dma source(%dma_start3A_43 : memref<10000x128xf32, #tpu.memory_space<hbm>>) target(%dma_start3A_38 : memref<50x128xf32, #tpu.memory_space<vmem>>) offsets(%dma_start3A_40 : memref<50xi32, #tpu.memory_space<vmem>>) semaphore(%arg10 : memref<!tpu.dma_semaphore, #tpu.memory_space<semaphore_mem>>)
    %dma_start3A_44 = arith.constant 4 : i32
    %dma_start3A_45 = arith.constant 0 : i32
    %dma_start3A_46 = arith.constant 0 : i32
    %dma_start3A_47 = tpu.memref_slice %arg6[%dma_start3A_44, %dma_start3A_45, %dma_start3A_46] : memref<8x50x128xf32, #tpu.memory_space<vmem>> -> memref<1x50x128xf32, #tpu.memory_space<vmem>>
    %dma_start3A_48 = tpu.memref_squeeze %dma_start3A_47 : memref<1x50x128xf32, #tpu.memory_space<vmem>> -> memref<50x128xf32, #tpu.memory_space<vmem>>
    %dma_start3A_49 = arith.constant 224 : i32
    %dma_start3A_50 = tpu.memref_slice %arg5[%dma_start3A_49] : memref<7168xi32, #tpu.memory_space<vmem>> -> memref<50xi32, #tpu.memory_space<vmem>>
    %dma_start3A_51 = arith.constant 0 : i32
    %dma_start3A_52 = arith.constant 0 : i32
    %dma_start3A_53 = tpu.memref_slice %arg3[%dma_start3A_51, %dma_start3A_52] : memref<10000x128xf32, #tpu.memory_space<hbm>> -> memref<10000x128xf32, #tpu.memory_space<hbm>>
    tpu.enqueue_indirect_dma source(%dma_start3A_53 : memref<10000x128xf32, #tpu.memory_space<hbm>>) target(%dma_start3A_48 : memref<50x128xf32, #tpu.memory_space<vmem>>) offsets(%dma_start3A_50 : memref<50xi32, #tpu.memory_space<vmem>>) semaphore(%arg11 : memref<!tpu.dma_semaphore, #tpu.memory_space<semaphore_mem>>)
    %dma_start3A_54 = arith.constant 5 : i32
    %dma_start3A_55 = arith.constant 0 : i32
    %dma_start3A_56 = arith.constant 0 : i32
    %dma_start3A_57 = tpu.memref_slice %arg6[%dma_start3A_54, %dma_start3A_55, %dma_start3A_56] : memref<8x50x128xf32, #tpu.memory_space<vmem>> -> memref<1x50x128xf32, #tpu.memory_space<vmem>>
    %dma_start3A_58 = tpu.memref_squeeze %dma_start3A_57 : memref<1x50x128xf32, #tpu.memory_space<vmem>> -> memref<50x128xf32, #tpu.memory_space<vmem>>
    %dma_start3A_59 = arith.constant 280 : i32
    %dma_start3A_60 = tpu.memref_slice %arg5[%dma_start3A_59] : memref<7168xi32, #tpu.memory_space<vmem>> -> memref<50xi32, #tpu.memory_space<vmem>>
    %dma_start3A_61 = arith.constant 0 : i32
    %dma_start3A_62 = arith.constant 0 : i32
    %dma_start3A_63 = tpu.memref_slice %arg3[%dma_start3A_61, %dma_start3A_62] : memref<10000x128xf32, #tpu.memory_space<hbm>> -> memref<10000x128xf32, #tpu.memory_space<hbm>>
    tpu.enqueue_indirect_dma source(%dma_start3A_63 : memref<10000x128xf32, #tpu.memory_space<hbm>>) target(%dma_start3A_58 : memref<50x128xf32, #tpu.memory_space<vmem>>) offsets(%dma_start3A_60 : memref<50xi32, #tpu.memory_space<vmem>>) semaphore(%arg12 : memref<!tpu.dma_semaphore, #tpu.memory_space<semaphore_mem>>)
    %dma_start3A_64 = arith.constant 6 : i32
    %dma_start3A_65 = arith.constant 0 : i32
    %dma_start3A_66 = arith.constant 0 : i32
    %dma_start3A_67 = tpu.memref_slice %arg6[%dma_start3A_64, %dma_start3A_65, %dma_start3A_66] : memref<8x50x128xf32, #tpu.memory_space<vmem>> -> memref<1x50x128xf32, #tpu.memory_space<vmem>>
    %dma_start3A_68 = tpu.memref_squeeze %dma_start3A_67 : memref<1x50x128xf32, #tpu.memory_space<vmem>> -> memref<50x128xf32, #tpu.memory_space<vmem>>
    %dma_start3A_69 = arith.constant 336 : i32
    %dma_start3A_70 = tpu.memref_slice %arg5[%dma_start3A_69] : memref<7168xi32, #tpu.memory_space<vmem>> -> memref<50xi32, #tpu.memory_space<vmem>>
    %dma_start3A_71 = arith.constant 0 : i32
    %dma_start3A_72 = arith.constant 0 : i32
    %dma_start3A_73 = tpu.memref_slice %arg3[%dma_start3A_71, %dma_start3A_72] : memref<10000x128xf32, #tpu.memory_space<hbm>> -> memref<10000x128xf32, #tpu.memory_space<hbm>>
    tpu.enqueue_indirect_dma source(%dma_start3A_73 : memref<10000x128xf32, #tpu.memory_space<hbm>>) target(%dma_start3A_68 : memref<50x128xf32, #tpu.memory_space<vmem>>) offsets(%dma_start3A_70 : memref<50xi32, #tpu.memory_space<vmem>>) semaphore(%arg13 : memref<!tpu.dma_semaphore, #tpu.memory_space<semaphore_mem>>)
    %dma_start3A_74 = arith.constant 7 : i32
    %dma_start3A_75 = arith.constant 0 : i32
    %dma_start3A_76 = arith.constant 0 : i32
    %dma_start3A_77 = tpu.memref_slice %arg6[%dma_start3A_74, %dma_start3A_75, %dma_start3A_76] : memref<8x50x128xf32, #tpu.memory_space<vmem>> -> memref<1x50x128xf32, #tpu.memory_space<vmem>>
    %dma_start3A_78 = tpu.memref_squeeze %dma_start3A_77 : memref<1x50x128xf32, #tpu.memory_space<vmem>> -> memref<50x128xf32, #tpu.memory_space<vmem>>
    %dma_start3A_79 = arith.constant 392 : i32
    %dma_start3A_80 = tpu.memref_slice %arg5[%dma_start3A_79] : memref<7168xi32, #tpu.memory_space<vmem>> -> memref<50xi32, #tpu.memory_space<vmem>>
    %dma_start3A_81 = arith.constant 0 : i32
    %dma_start3A_82 = arith.constant 0 : i32
    %dma_start3A_83 = tpu.memref_slice %arg3[%dma_start3A_81, %dma_start3A_82] : memref<10000x128xf32, #tpu.memory_space<hbm>> -> memref<10000x128xf32, #tpu.memory_space<hbm>>
    tpu.enqueue_indirect_dma source(%dma_start3A_83 : memref<10000x128xf32, #tpu.memory_space<hbm>>) target(%dma_start3A_78 : memref<50x128xf32, #tpu.memory_space<vmem>>) offsets(%dma_start3A_80 : memref<50xi32, #tpu.memory_space<vmem>>) semaphore(%arg14 : memref<!tpu.dma_semaphore, #tpu.memory_space<semaphore_mem>>)
    %scan3A = arith.constant 0 : i32
    %scan3A_84 = arith.constant 0 : i32
    %scan3A_85 = arith.constant 15 : i32
    %scan3A_86 = arith.addi %scan3A_84, %scan3A_85 : i32
    %scan3A_87 = arith.constant 1 : i32
    scf.for %scan3A_472 = %scan3A_84 to %scan3A_86 step %scan3A_87  : i32 {
      %mul3A_473 = arith.constant 8 : i32
      %mul3A_474 = arith.muli %scan3A_472, %mul3A_473 : i32
      %add3A_475 = arith.constant 0 : i32
      %add3A_476 = arith.addi %mul3A_474, %add3A_475 : i32
      %mul3A_477 = arith.constant 56 : i32
      %mul3A_478 = arith.muli %add3A_476, %mul3A_477 : i32
      %dma_wait3A_479 = arith.constant 0 : i32
      %dma_wait3A_480 = arith.constant 0 : i32
      %dma_wait3A_481 = arith.constant 0 : i32
      %dma_wait3A_482 = tpu.memref_slice %arg6[%dma_wait3A_479, %dma_wait3A_480, %dma_wait3A_481] : memref<8x50x128xf32, #tpu.memory_space<vmem>> -> memref<1x50x128xf32, #tpu.memory_space<vmem>>
      %dma_wait3A_483 = tpu.memref_squeeze %dma_wait3A_482 : memref<1x50x128xf32, #tpu.memory_space<vmem>> -> memref<50x128xf32, #tpu.memory_space<vmem>>
      %dma_wait3A_484 = tpu.memref_slice %arg5[%mul3A_478] : memref<7168xi32, #tpu.memory_space<vmem>> -> memref<50xi32, #tpu.memory_space<vmem>>
      %dma_wait3A_485 = arith.constant 0 : i32
      %dma_wait3A_486 = arith.constant 0 : i32
      %dma_wait3A_487 = tpu.memref_slice %arg3[%dma_wait3A_485, %dma_wait3A_486] : memref<10000x128xf32, #tpu.memory_space<hbm>> -> memref<10000x128xf32, #tpu.memory_space<hbm>>
      tpu.wait_indirect_dma semaphore(%arg7 : memref<!tpu.dma_semaphore, #tpu.memory_space<semaphore_mem>>) src(%dma_wait3A_487 : memref<10000x128xf32, #tpu.memory_space<hbm>>) dst(%dma_wait3A_483 : memref<50x128xf32, #tpu.memory_space<vmem>>)
      %add3A_488 = arith.constant 0 : i32
      %add3A_489 = arith.addi %mul3A_474, %add3A_488 : i32
      %add3A_490 = arith.addi %mul3A_2, %add3A_489 : i32
      %dma_start3A_491 = arith.constant 0 : i32
      %dma_start3A_492 = arith.constant 0 : i32
      %dma_start3A_493 = arith.constant 0 : i32
      %dma_start3A_494 = tpu.memref_slice %arg6[%dma_start3A_491, %dma_start3A_492, %dma_start3A_493] : memref<8x50x128xf32, #tpu.memory_space<vmem>> -> memref<1x50x128xf32, #tpu.memory_space<vmem>>
      %dma_start3A_495 = tpu.memref_squeeze %dma_start3A_494 : memref<1x50x128xf32, #tpu.memory_space<vmem>> -> memref<50x128xf32, #tpu.memory_space<vmem>>
      %dma_start3A_496 = arith.constant 0 : i32
      %dma_start3A_497 = arith.constant 0 : i32
      %dma_start3A_498 = tpu.memref_slice %arg4[%add3A_490, %dma_start3A_496, %dma_start3A_497] : memref<4096x50x128xf32, #tpu.memory_space<hbm>> -> memref<1x50x128xf32, #tpu.memory_space<hbm>>
      %dma_start3A_499 = tpu.memref_squeeze %dma_start3A_498 : memref<1x50x128xf32, #tpu.memory_space<hbm>> -> memref<50x128xf32, #tpu.memory_space<hbm>>
      %dma_start3A_500 = arith.constant 0 : i32
      %dma_start3A_501 = arith.constant 0 : i32
      %dma_start3A_502 = tpu.memref_slice %arg4[%add3A_490, %dma_start3A_500, %dma_start3A_501] : memref<4096x50x128xf32, #tpu.memory_space<hbm>> -> memref<1x50x128xf32, #tpu.memory_space<hbm>>
      %dma_start3A_503 = tpu.memref_squeeze %dma_start3A_502 : memref<1x50x128xf32, #tpu.memory_space<hbm>> -> memref<50x128xf32, #tpu.memory_space<hbm>>
      %dma_start3A_504 = arith.constant 0 : i32
      %dma_start3A_505 = arith.constant 0 : i32
      %dma_start3A_506 = tpu.memref_slice %arg6[%dma_start3A_491, %dma_start3A_504, %dma_start3A_505] : memref<8x50x128xf32, #tpu.memory_space<vmem>> -> memref<1x50x128xf32, #tpu.memory_space<vmem>>
      %dma_start3A_507 = tpu.memref_squeeze %dma_start3A_506 : memref<1x50x128xf32, #tpu.memory_space<vmem>> -> memref<50x128xf32, #tpu.memory_space<vmem>>
      tpu.enqueue_dma source(%dma_start3A_507 : memref<50x128xf32, #tpu.memory_space<vmem>>) target(%dma_start3A_503 : memref<50x128xf32, #tpu.memory_space<hbm>>) target_semaphore(%arg15 : memref<!tpu.dma_semaphore, #tpu.memory_space<semaphore_mem>>)
      %add3A_508 = arith.constant 1 : i32
      %add3A_509 = arith.addi %mul3A_474, %add3A_508 : i32
      %mul3A_510 = arith.constant 56 : i32
      %mul3A_511 = arith.muli %add3A_509, %mul3A_510 : i32
      %dma_wait3A_512 = arith.constant 1 : i32
      %dma_wait3A_513 = arith.constant 0 : i32
      %dma_wait3A_514 = arith.constant 0 : i32
      %dma_wait3A_515 = tpu.memref_slice %arg6[%dma_wait3A_512, %dma_wait3A_513, %dma_wait3A_514] : memref<8x50x128xf32, #tpu.memory_space<vmem>> -> memref<1x50x128xf32, #tpu.memory_space<vmem>>
      %dma_wait3A_516 = tpu.memref_squeeze %dma_wait3A_515 : memref<1x50x128xf32, #tpu.memory_space<vmem>> -> memref<50x128xf32, #tpu.memory_space<vmem>>
      %dma_wait3A_517 = tpu.memref_slice %arg5[%mul3A_511] : memref<7168xi32, #tpu.memory_space<vmem>> -> memref<50xi32, #tpu.memory_space<vmem>>
      %dma_wait3A_518 = arith.constant 0 : i32
      %dma_wait3A_519 = arith.constant 0 : i32
      %dma_wait3A_520 = tpu.memref_slice %arg3[%dma_wait3A_518, %dma_wait3A_519] : memref<10000x128xf32, #tpu.memory_space<hbm>> -> memref<10000x128xf32, #tpu.memory_space<hbm>>
      tpu.wait_indirect_dma semaphore(%arg8 : memref<!tpu.dma_semaphore, #tpu.memory_space<semaphore_mem>>) src(%dma_wait3A_520 : memref<10000x128xf32, #tpu.memory_space<hbm>>) dst(%dma_wait3A_516 : memref<50x128xf32, #tpu.memory_space<vmem>>)
      %add3A_521 = arith.constant 1 : i32
      %add3A_522 = arith.addi %mul3A_474, %add3A_521 : i32
      %add3A_523 = arith.addi %mul3A_2, %add3A_522 : i32
      %dma_start3A_524 = arith.constant 1 : i32
      %dma_start3A_525 = arith.constant 0 : i32
      %dma_start3A_526 = arith.constant 0 : i32
      %dma_start3A_527 = tpu.memref_slice %arg6[%dma_start3A_524, %dma_start3A_525, %dma_start3A_526] : memref<8x50x128xf32, #tpu.memory_space<vmem>> -> memref<1x50x128xf32, #tpu.memory_space<vmem>>
      %dma_start3A_528 = tpu.memref_squeeze %dma_start3A_527 : memref<1x50x128xf32, #tpu.memory_space<vmem>> -> memref<50x128xf32, #tpu.memory_space<vmem>>
      %dma_start3A_529 = arith.constant 0 : i32
      %dma_start3A_530 = arith.constant 0 : i32
      %dma_start3A_531 = tpu.memref_slice %arg4[%add3A_523, %dma_start3A_529, %dma_start3A_530] : memref<4096x50x128xf32, #tpu.memory_space<hbm>> -> memref<1x50x128xf32, #tpu.memory_space<hbm>>
      %dma_start3A_532 = tpu.memref_squeeze %dma_start3A_531 : memref<1x50x128xf32, #tpu.memory_space<hbm>> -> memref<50x128xf32, #tpu.memory_space<hbm>>
      %dma_start3A_533 = arith.constant 0 : i32
      %dma_start3A_534 = arith.constant 0 : i32
      %dma_start3A_535 = tpu.memref_slice %arg4[%add3A_523, %dma_start3A_533, %dma_start3A_534] : memref<4096x50x128xf32, #tpu.memory_space<hbm>> -> memref<1x50x128xf32, #tpu.memory_space<hbm>>
      %dma_start3A_536 = tpu.memref_squeeze %dma_start3A_535 : memref<1x50x128xf32, #tpu.memory_space<hbm>> -> memref<50x128xf32, #tpu.memory_space<hbm>>
      %dma_start3A_537 = arith.constant 0 : i32
      %dma_start3A_538 = arith.constant 0 : i32
      %dma_start3A_539 = tpu.memref_slice %arg6[%dma_start3A_524, %dma_start3A_537, %dma_start3A_538] : memref<8x50x128xf32, #tpu.memory_space<vmem>> -> memref<1x50x128xf32, #tpu.memory_space<vmem>>
      %dma_start3A_540 = tpu.memref_squeeze %dma_start3A_539 : memref<1x50x128xf32, #tpu.memory_space<vmem>> -> memref<50x128xf32, #tpu.memory_space<vmem>>
      tpu.enqueue_dma source(%dma_start3A_540 : memref<50x128xf32, #tpu.memory_space<vmem>>) target(%dma_start3A_536 : memref<50x128xf32, #tpu.memory_space<hbm>>) target_semaphore(%arg16 : memref<!tpu.dma_semaphore, #tpu.memory_space<semaphore_mem>>)
      %add3A_541 = arith.constant 2 : i32
      %add3A_542 = arith.addi %mul3A_474, %add3A_541 : i32
      %mul3A_543 = arith.constant 56 : i32
      %mul3A_544 = arith.muli %add3A_542, %mul3A_543 : i32
      %dma_wait3A_545 = arith.constant 2 : i32
      %dma_wait3A_546 = arith.constant 0 : i32
      %dma_wait3A_547 = arith.constant 0 : i32
      %dma_wait3A_548 = tpu.memref_slice %arg6[%dma_wait3A_545, %dma_wait3A_546, %dma_wait3A_547] : memref<8x50x128xf32, #tpu.memory_space<vmem>> -> memref<1x50x128xf32, #tpu.memory_space<vmem>>
      %dma_wait3A_549 = tpu.memref_squeeze %dma_wait3A_548 : memref<1x50x128xf32, #tpu.memory_space<vmem>> -> memref<50x128xf32, #tpu.memory_space<vmem>>
      %dma_wait3A_550 = tpu.memref_slice %arg5[%mul3A_544] : memref<7168xi32, #tpu.memory_space<vmem>> -> memref<50xi32, #tpu.memory_space<vmem>>
      %dma_wait3A_551 = arith.constant 0 : i32
      %dma_wait3A_552 = arith.constant 0 : i32
      %dma_wait3A_553 = tpu.memref_slice %arg3[%dma_wait3A_551, %dma_wait3A_552] : memref<10000x128xf32, #tpu.memory_space<hbm>> -> memref<10000x128xf32, #tpu.memory_space<hbm>>
      tpu.wait_indirect_dma semaphore(%arg9 : memref<!tpu.dma_semaphore, #tpu.memory_space<semaphore_mem>>) src(%dma_wait3A_553 : memref<10000x128xf32, #tpu.memory_space<hbm>>) dst(%dma_wait3A_549 : memref<50x128xf32, #tpu.memory_space<vmem>>)
      %add3A_554 = arith.constant 2 : i32
      %add3A_555 = arith.addi %mul3A_474, %add3A_554 : i32
      %add3A_556 = arith.addi %mul3A_2, %add3A_555 : i32
      %dma_start3A_557 = arith.constant 2 : i32
      %dma_start3A_558 = arith.constant 0 : i32
      %dma_start3A_559 = arith.constant 0 : i32
      %dma_start3A_560 = tpu.memref_slice %arg6[%dma_start3A_557, %dma_start3A_558, %dma_start3A_559] : memref<8x50x128xf32, #tpu.memory_space<vmem>> -> memref<1x50x128xf32, #tpu.memory_space<vmem>>
      %dma_start3A_561 = tpu.memref_squeeze %dma_start3A_560 : memref<1x50x128xf32, #tpu.memory_space<vmem>> -> memref<50x128xf32, #tpu.memory_space<vmem>>
      %dma_start3A_562 = arith.constant 0 : i32
      %dma_start3A_563 = arith.constant 0 : i32
      %dma_start3A_564 = tpu.memref_slice %arg4[%add3A_556, %dma_start3A_562, %dma_start3A_563] : memref<4096x50x128xf32, #tpu.memory_space<hbm>> -> memref<1x50x128xf32, #tpu.memory_space<hbm>>
      %dma_start3A_565 = tpu.memref_squeeze %dma_start3A_564 : memref<1x50x128xf32, #tpu.memory_space<hbm>> -> memref<50x128xf32, #tpu.memory_space<hbm>>
      %dma_start3A_566 = arith.constant 0 : i32
      %dma_start3A_567 = arith.constant 0 : i32
      %dma_start3A_568 = tpu.memref_slice %arg4[%add3A_556, %dma_start3A_566, %dma_start3A_567] : memref<4096x50x128xf32, #tpu.memory_space<hbm>> -> memref<1x50x128xf32, #tpu.memory_space<hbm>>
      %dma_start3A_569 = tpu.memref_squeeze %dma_start3A_568 : memref<1x50x128xf32, #tpu.memory_space<hbm>> -> memref<50x128xf32, #tpu.memory_space<hbm>>
      %dma_start3A_570 = arith.constant 0 : i32
      %dma_start3A_571 = arith.constant 0 : i32
      %dma_start3A_572 = tpu.memref_slice %arg6[%dma_start3A_557, %dma_start3A_570, %dma_start3A_571] : memref<8x50x128xf32, #tpu.memory_space<vmem>> -> memref<1x50x128xf32, #tpu.memory_space<vmem>>
      %dma_start3A_573 = tpu.memref_squeeze %dma_start3A_572 : memref<1x50x128xf32, #tpu.memory_space<vmem>> -> memref<50x128xf32, #tpu.memory_space<vmem>>
      tpu.enqueue_dma source(%dma_start3A_573 : memref<50x128xf32, #tpu.memory_space<vmem>>) target(%dma_start3A_569 : memref<50x128xf32, #tpu.memory_space<hbm>>) target_semaphore(%arg17 : memref<!tpu.dma_semaphore, #tpu.memory_space<semaphore_mem>>)
      %add3A_574 = arith.constant 3 : i32
      %add3A_575 = arith.addi %mul3A_474, %add3A_574 : i32
      %mul3A_576 = arith.constant 56 : i32
      %mul3A_577 = arith.muli %add3A_575, %mul3A_576 : i32
      %dma_wait3A_578 = arith.constant 3 : i32
      %dma_wait3A_579 = arith.constant 0 : i32
      %dma_wait3A_580 = arith.constant 0 : i32
      %dma_wait3A_581 = tpu.memref_slice %arg6[%dma_wait3A_578, %dma_wait3A_579, %dma_wait3A_580] : memref<8x50x128xf32, #tpu.memory_space<vmem>> -> memref<1x50x128xf32, #tpu.memory_space<vmem>>
      %dma_wait3A_582 = tpu.memref_squeeze %dma_wait3A_581 : memref<1x50x128xf32, #tpu.memory_space<vmem>> -> memref<50x128xf32, #tpu.memory_space<vmem>>
      %dma_wait3A_583 = tpu.memref_slice %arg5[%mul3A_577] : memref<7168xi32, #tpu.memory_space<vmem>> -> memref<50xi32, #tpu.memory_space<vmem>>
      %dma_wait3A_584 = arith.constant 0 : i32
      %dma_wait3A_585 = arith.constant 0 : i32
      %dma_wait3A_586 = tpu.memref_slice %arg3[%dma_wait3A_584, %dma_wait3A_585] : memref<10000x128xf32, #tpu.memory_space<hbm>> -> memref<10000x128xf32, #tpu.memory_space<hbm>>
      tpu.wait_indirect_dma semaphore(%arg10 : memref<!tpu.dma_semaphore, #tpu.memory_space<semaphore_mem>>) src(%dma_wait3A_586 : memref<10000x128xf32, #tpu.memory_space<hbm>>) dst(%dma_wait3A_582 : memref<50x128xf32, #tpu.memory_space<vmem>>)
      %add3A_587 = arith.constant 3 : i32
      %add3A_588 = arith.addi %mul3A_474, %add3A_587 : i32
      %add3A_589 = arith.addi %mul3A_2, %add3A_588 : i32
      %dma_start3A_590 = arith.constant 3 : i32
      %dma_start3A_591 = arith.constant 0 : i32
      %dma_start3A_592 = arith.constant 0 : i32
      %dma_start3A_593 = tpu.memref_slice %arg6[%dma_start3A_590, %dma_start3A_591, %dma_start3A_592] : memref<8x50x128xf32, #tpu.memory_space<vmem>> -> memref<1x50x128xf32, #tpu.memory_space<vmem>>
      %dma_start3A_594 = tpu.memref_squeeze %dma_start3A_593 : memref<1x50x128xf32, #tpu.memory_space<vmem>> -> memref<50x128xf32, #tpu.memory_space<vmem>>
      %dma_start3A_595 = arith.constant 0 : i32
      %dma_start3A_596 = arith.constant 0 : i32
      %dma_start3A_597 = tpu.memref_slice %arg4[%add3A_589, %dma_start3A_595, %dma_start3A_596] : memref<4096x50x128xf32, #tpu.memory_space<hbm>> -> memref<1x50x128xf32, #tpu.memory_space<hbm>>
      %dma_start3A_598 = tpu.memref_squeeze %dma_start3A_597 : memref<1x50x128xf32, #tpu.memory_space<hbm>> -> memref<50x128xf32, #tpu.memory_space<hbm>>
      %dma_start3A_599 = arith.constant 0 : i32
      %dma_start3A_600 = arith.constant 0 : i32
      %dma_start3A_601 = tpu.memref_slice %arg4[%add3A_589, %dma_start3A_599, %dma_start3A_600] : memref<4096x50x128xf32, #tpu.memory_space<hbm>> -> memref<1x50x128xf32, #tpu.memory_space<hbm>>
      %dma_start3A_602 = tpu.memref_squeeze %dma_start3A_601 : memref<1x50x128xf32, #tpu.memory_space<hbm>> -> memref<50x128xf32, #tpu.memory_space<hbm>>
      %dma_start3A_603 = arith.constant 0 : i32
      %dma_start3A_604 = arith.constant 0 : i32
      %dma_start3A_605 = tpu.memref_slice %arg6[%dma_start3A_590, %dma_start3A_603, %dma_start3A_604] : memref<8x50x128xf32, #tpu.memory_space<vmem>> -> memref<1x50x128xf32, #tpu.memory_space<vmem>>
      %dma_start3A_606 = tpu.memref_squeeze %dma_start3A_605 : memref<1x50x128xf32, #tpu.memory_space<vmem>> -> memref<50x128xf32, #tpu.memory_space<vmem>>
      tpu.enqueue_dma source(%dma_start3A_606 : memref<50x128xf32, #tpu.memory_space<vmem>>) target(%dma_start3A_602 : memref<50x128xf32, #tpu.memory_space<hbm>>) target_semaphore(%arg18 : memref<!tpu.dma_semaphore, #tpu.memory_space<semaphore_mem>>)
      %add3A_607 = arith.constant 4 : i32
      %add3A_608 = arith.addi %mul3A_474, %add3A_607 : i32
      %mul3A_609 = arith.constant 56 : i32
      %mul3A_610 = arith.muli %add3A_608, %mul3A_609 : i32
      %dma_wait3A_611 = arith.constant 4 : i32
      %dma_wait3A_612 = arith.constant 0 : i32
      %dma_wait3A_613 = arith.constant 0 : i32
      %dma_wait3A_614 = tpu.memref_slice %arg6[%dma_wait3A_611, %dma_wait3A_612, %dma_wait3A_613] : memref<8x50x128xf32, #tpu.memory_space<vmem>> -> memref<1x50x128xf32, #tpu.memory_space<vmem>>
      %dma_wait3A_615 = tpu.memref_squeeze %dma_wait3A_614 : memref<1x50x128xf32, #tpu.memory_space<vmem>> -> memref<50x128xf32, #tpu.memory_space<vmem>>
      %dma_wait3A_616 = tpu.memref_slice %arg5[%mul3A_610] : memref<7168xi32, #tpu.memory_space<vmem>> -> memref<50xi32, #tpu.memory_space<vmem>>
      %dma_wait3A_617 = arith.constant 0 : i32
      %dma_wait3A_618 = arith.constant 0 : i32
      %dma_wait3A_619 = tpu.memref_slice %arg3[%dma_wait3A_617, %dma_wait3A_618] : memref<10000x128xf32, #tpu.memory_space<hbm>> -> memref<10000x128xf32, #tpu.memory_space<hbm>>
      tpu.wait_indirect_dma semaphore(%arg11 : memref<!tpu.dma_semaphore, #tpu.memory_space<semaphore_mem>>) src(%dma_wait3A_619 : memref<10000x128xf32, #tpu.memory_space<hbm>>) dst(%dma_wait3A_615 : memref<50x128xf32, #tpu.memory_space<vmem>>)
      %add3A_620 = arith.constant 4 : i32
      %add3A_621 = arith.addi %mul3A_474, %add3A_620 : i32
      %add3A_622 = arith.addi %mul3A_2, %add3A_621 : i32
      %dma_start3A_623 = arith.constant 4 : i32
      %dma_start3A_624 = arith.constant 0 : i32
      %dma_start3A_625 = arith.constant 0 : i32
      %dma_start3A_626 = tpu.memref_slice %arg6[%dma_start3A_623, %dma_start3A_624, %dma_start3A_625] : memref<8x50x128xf32, #tpu.memory_space<vmem>> -> memref<1x50x128xf32, #tpu.memory_space<vmem>>
      %dma_start3A_627 = tpu.memref_squeeze %dma_start3A_626 : memref<1x50x128xf32, #tpu.memory_space<vmem>> -> memref<50x128xf32, #tpu.memory_space<vmem>>
      %dma_start3A_628 = arith.constant 0 : i32
      %dma_start3A_629 = arith.constant 0 : i32
      %dma_start3A_630 = tpu.memref_slice %arg4[%add3A_622, %dma_start3A_628, %dma_start3A_629] : memref<4096x50x128xf32, #tpu.memory_space<hbm>> -> memref<1x50x128xf32, #tpu.memory_space<hbm>>
      %dma_start3A_631 = tpu.memref_squeeze %dma_start3A_630 : memref<1x50x128xf32, #tpu.memory_space<hbm>> -> memref<50x128xf32, #tpu.memory_space<hbm>>
      %dma_start3A_632 = arith.constant 0 : i32
      %dma_start3A_633 = arith.constant 0 : i32
      %dma_start3A_634 = tpu.memref_slice %arg4[%add3A_622, %dma_start3A_632, %dma_start3A_633] : memref<4096x50x128xf32, #tpu.memory_space<hbm>> -> memref<1x50x128xf32, #tpu.memory_space<hbm>>
      %dma_start3A_635 = tpu.memref_squeeze %dma_start3A_634 : memref<1x50x128xf32, #tpu.memory_space<hbm>> -> memref<50x128xf32, #tpu.memory_space<hbm>>
      %dma_start3A_636 = arith.constant 0 : i32
      %dma_start3A_637 = arith.constant 0 : i32
      %dma_start3A_638 = tpu.memref_slice %arg6[%dma_start3A_623, %dma_start3A_636, %dma_start3A_637] : memref<8x50x128xf32, #tpu.memory_space<vmem>> -> memref<1x50x128xf32, #tpu.memory_space<vmem>>
      %dma_start3A_639 = tpu.memref_squeeze %dma_start3A_638 : memref<1x50x128xf32, #tpu.memory_space<vmem>> -> memref<50x128xf32, #tpu.memory_space<vmem>>
      tpu.enqueue_dma source(%dma_start3A_639 : memref<50x128xf32, #tpu.memory_space<vmem>>) target(%dma_start3A_635 : memref<50x128xf32, #tpu.memory_space<hbm>>) target_semaphore(%arg19 : memref<!tpu.dma_semaphore, #tpu.memory_space<semaphore_mem>>)
      %add3A_640 = arith.constant 5 : i32
      %add3A_641 = arith.addi %mul3A_474, %add3A_640 : i32
      %mul3A_642 = arith.constant 56 : i32
      %mul3A_643 = arith.muli %add3A_641, %mul3A_642 : i32
      %dma_wait3A_644 = arith.constant 5 : i32
      %dma_wait3A_645 = arith.constant 0 : i32
      %dma_wait3A_646 = arith.constant 0 : i32
      %dma_wait3A_647 = tpu.memref_slice %arg6[%dma_wait3A_644, %dma_wait3A_645, %dma_wait3A_646] : memref<8x50x128xf32, #tpu.memory_space<vmem>> -> memref<1x50x128xf32, #tpu.memory_space<vmem>>
      %dma_wait3A_648 = tpu.memref_squeeze %dma_wait3A_647 : memref<1x50x128xf32, #tpu.memory_space<vmem>> -> memref<50x128xf32, #tpu.memory_space<vmem>>
      %dma_wait3A_649 = tpu.memref_slice %arg5[%mul3A_643] : memref<7168xi32, #tpu.memory_space<vmem>> -> memref<50xi32, #tpu.memory_space<vmem>>
      %dma_wait3A_650 = arith.constant 0 : i32
      %dma_wait3A_651 = arith.constant 0 : i32
      %dma_wait3A_652 = tpu.memref_slice %arg3[%dma_wait3A_650, %dma_wait3A_651] : memref<10000x128xf32, #tpu.memory_space<hbm>> -> memref<10000x128xf32, #tpu.memory_space<hbm>>
      tpu.wait_indirect_dma semaphore(%arg12 : memref<!tpu.dma_semaphore, #tpu.memory_space<semaphore_mem>>) src(%dma_wait3A_652 : memref<10000x128xf32, #tpu.memory_space<hbm>>) dst(%dma_wait3A_648 : memref<50x128xf32, #tpu.memory_space<vmem>>)
      %add3A_653 = arith.constant 5 : i32
      %add3A_654 = arith.addi %mul3A_474, %add3A_653 : i32
      %add3A_655 = arith.addi %mul3A_2, %add3A_654 : i32
      %dma_start3A_656 = arith.constant 5 : i32
      %dma_start3A_657 = arith.constant 0 : i32
      %dma_start3A_658 = arith.constant 0 : i32
      %dma_start3A_659 = tpu.memref_slice %arg6[%dma_start3A_656, %dma_start3A_657, %dma_start3A_658] : memref<8x50x128xf32, #tpu.memory_space<vmem>> -> memref<1x50x128xf32, #tpu.memory_space<vmem>>
      %dma_start3A_660 = tpu.memref_squeeze %dma_start3A_659 : memref<1x50x128xf32, #tpu.memory_space<vmem>> -> memref<50x128xf32, #tpu.memory_space<vmem>>
      %dma_start3A_661 = arith.constant 0 : i32
      %dma_start3A_662 = arith.constant 0 : i32
      %dma_start3A_663 = tpu.memref_slice %arg4[%add3A_655, %dma_start3A_661, %dma_start3A_662] : memref<4096x50x128xf32, #tpu.memory_space<hbm>> -> memref<1x50x128xf32, #tpu.memory_space<hbm>>
      %dma_start3A_664 = tpu.memref_squeeze %dma_start3A_663 : memref<1x50x128xf32, #tpu.memory_space<hbm>> -> memref<50x128xf32, #tpu.memory_space<hbm>>
      %dma_start3A_665 = arith.constant 0 : i32
      %dma_start3A_666 = arith.constant 0 : i32
      %dma_start3A_667 = tpu.memref_slice %arg4[%add3A_655, %dma_start3A_665, %dma_start3A_666] : memref<4096x50x128xf32, #tpu.memory_space<hbm>> -> memref<1x50x128xf32, #tpu.memory_space<hbm>>
      %dma_start3A_668 = tpu.memref_squeeze %dma_start3A_667 : memref<1x50x128xf32, #tpu.memory_space<hbm>> -> memref<50x128xf32, #tpu.memory_space<hbm>>
      %dma_start3A_669 = arith.constant 0 : i32
      %dma_start3A_670 = arith.constant 0 : i32
      %dma_start3A_671 = tpu.memref_slice %arg6[%dma_start3A_656, %dma_start3A_669, %dma_start3A_670] : memref<8x50x128xf32, #tpu.memory_space<vmem>> -> memref<1x50x128xf32, #tpu.memory_space<vmem>>
      %dma_start3A_672 = tpu.memref_squeeze %dma_start3A_671 : memref<1x50x128xf32, #tpu.memory_space<vmem>> -> memref<50x128xf32, #tpu.memory_space<vmem>>
      tpu.enqueue_dma source(%dma_start3A_672 : memref<50x128xf32, #tpu.memory_space<vmem>>) target(%dma_start3A_668 : memref<50x128xf32, #tpu.memory_space<hbm>>) target_semaphore(%arg20 : memref<!tpu.dma_semaphore, #tpu.memory_space<semaphore_mem>>)
      %add3A_673 = arith.constant 6 : i32
      %add3A_674 = arith.addi %mul3A_474, %add3A_673 : i32
      %mul3A_675 = arith.constant 56 : i32
      %mul3A_676 = arith.muli %add3A_674, %mul3A_675 : i32
      %dma_wait3A_677 = arith.constant 6 : i32
      %dma_wait3A_678 = arith.constant 0 : i32
      %dma_wait3A_679 = arith.constant 0 : i32
      %dma_wait3A_680 = tpu.memref_slice %arg6[%dma_wait3A_677, %dma_wait3A_678, %dma_wait3A_679] : memref<8x50x128xf32, #tpu.memory_space<vmem>> -> memref<1x50x128xf32, #tpu.memory_space<vmem>>
      %dma_wait3A_681 = tpu.memref_squeeze %dma_wait3A_680 : memref<1x50x128xf32, #tpu.memory_space<vmem>> -> memref<50x128xf32, #tpu.memory_space<vmem>>
      %dma_wait3A_682 = tpu.memref_slice %arg5[%mul3A_676] : memref<7168xi32, #tpu.memory_space<vmem>> -> memref<50xi32, #tpu.memory_space<vmem>>
      %dma_wait3A_683 = arith.constant 0 : i32
      %dma_wait3A_684 = arith.constant 0 : i32
      %dma_wait3A_685 = tpu.memref_slice %arg3[%dma_wait3A_683, %dma_wait3A_684] : memref<10000x128xf32, #tpu.memory_space<hbm>> -> memref<10000x128xf32, #tpu.memory_space<hbm>>
      tpu.wait_indirect_dma semaphore(%arg13 : memref<!tpu.dma_semaphore, #tpu.memory_space<semaphore_mem>>) src(%dma_wait3A_685 : memref<10000x128xf32, #tpu.memory_space<hbm>>) dst(%dma_wait3A_681 : memref<50x128xf32, #tpu.memory_space<vmem>>)
      %add3A_686 = arith.constant 6 : i32
      %add3A_687 = arith.addi %mul3A_474, %add3A_686 : i32
      %add3A_688 = arith.addi %mul3A_2, %add3A_687 : i32
      %dma_start3A_689 = arith.constant 6 : i32
      %dma_start3A_690 = arith.constant 0 : i32
      %dma_start3A_691 = arith.constant 0 : i32
      %dma_start3A_692 = tpu.memref_slice %arg6[%dma_start3A_689, %dma_start3A_690, %dma_start3A_691] : memref<8x50x128xf32, #tpu.memory_space<vmem>> -> memref<1x50x128xf32, #tpu.memory_space<vmem>>
      %dma_start3A_693 = tpu.memref_squeeze %dma_start3A_692 : memref<1x50x128xf32, #tpu.memory_space<vmem>> -> memref<50x128xf32, #tpu.memory_space<vmem>>
      %dma_start3A_694 = arith.constant 0 : i32
      %dma_start3A_695 = arith.constant 0 : i32
      %dma_start3A_696 = tpu.memref_slice %arg4[%add3A_688, %dma_start3A_694, %dma_start3A_695] : memref<4096x50x128xf32, #tpu.memory_space<hbm>> -> memref<1x50x128xf32, #tpu.memory_space<hbm>>
      %dma_start3A_697 = tpu.memref_squeeze %dma_start3A_696 : memref<1x50x128xf32, #tpu.memory_space<hbm>> -> memref<50x128xf32, #tpu.memory_space<hbm>>
      %dma_start3A_698 = arith.constant 0 : i32
      %dma_start3A_699 = arith.constant 0 : i32
      %dma_start3A_700 = tpu.memref_slice %arg4[%add3A_688, %dma_start3A_698, %dma_start3A_699] : memref<4096x50x128xf32, #tpu.memory_space<hbm>> -> memref<1x50x128xf32, #tpu.memory_space<hbm>>
      %dma_start3A_701 = tpu.memref_squeeze %dma_start3A_700 : memref<1x50x128xf32, #tpu.memory_space<hbm>> -> memref<50x128xf32, #tpu.memory_space<hbm>>
      %dma_start3A_702 = arith.constant 0 : i32
      %dma_start3A_703 = arith.constant 0 : i32
      %dma_start3A_704 = tpu.memref_slice %arg6[%dma_start3A_689, %dma_start3A_702, %dma_start3A_703] : memref<8x50x128xf32, #tpu.memory_space<vmem>> -> memref<1x50x128xf32, #tpu.memory_space<vmem>>
      %dma_start3A_705 = tpu.memref_squeeze %dma_start3A_704 : memref<1x50x128xf32, #tpu.memory_space<vmem>> -> memref<50x128xf32, #tpu.memory_space<vmem>>
      tpu.enqueue_dma source(%dma_start3A_705 : memref<50x128xf32, #tpu.memory_space<vmem>>) target(%dma_start3A_701 : memref<50x128xf32, #tpu.memory_space<hbm>>) target_semaphore(%arg21 : memref<!tpu.dma_semaphore, #tpu.memory_space<semaphore_mem>>)
      %add3A_706 = arith.constant 7 : i32
      %add3A_707 = arith.addi %mul3A_474, %add3A_706 : i32
      %mul3A_708 = arith.constant 56 : i32
      %mul3A_709 = arith.muli %add3A_707, %mul3A_708 : i32
      %dma_wait3A_710 = arith.constant 7 : i32
      %dma_wait3A_711 = arith.constant 0 : i32
      %dma_wait3A_712 = arith.constant 0 : i32
      %dma_wait3A_713 = tpu.memref_slice %arg6[%dma_wait3A_710, %dma_wait3A_711, %dma_wait3A_712] : memref<8x50x128xf32, #tpu.memory_space<vmem>> -> memref<1x50x128xf32, #tpu.memory_space<vmem>>
      %dma_wait3A_714 = tpu.memref_squeeze %dma_wait3A_713 : memref<1x50x128xf32, #tpu.memory_space<vmem>> -> memref<50x128xf32, #tpu.memory_space<vmem>>
      %dma_wait3A_715 = tpu.memref_slice %arg5[%mul3A_709] : memref<7168xi32, #tpu.memory_space<vmem>> -> memref<50xi32, #tpu.memory_space<vmem>>
      %dma_wait3A_716 = arith.constant 0 : i32
      %dma_wait3A_717 = arith.constant 0 : i32
      %dma_wait3A_718 = tpu.memref_slice %arg3[%dma_wait3A_716, %dma_wait3A_717] : memref<10000x128xf32, #tpu.memory_space<hbm>> -> memref<10000x128xf32, #tpu.memory_space<hbm>>
      tpu.wait_indirect_dma semaphore(%arg14 : memref<!tpu.dma_semaphore, #tpu.memory_space<semaphore_mem>>) src(%dma_wait3A_718 : memref<10000x128xf32, #tpu.memory_space<hbm>>) dst(%dma_wait3A_714 : memref<50x128xf32, #tpu.memory_space<vmem>>)
      %add3A_719 = arith.constant 7 : i32
      %add3A_720 = arith.addi %mul3A_474, %add3A_719 : i32
      %add3A_721 = arith.addi %mul3A_2, %add3A_720 : i32
      %dma_start3A_722 = arith.constant 7 : i32
      %dma_start3A_723 = arith.constant 0 : i32
      %dma_start3A_724 = arith.constant 0 : i32
      %dma_start3A_725 = tpu.memref_slice %arg6[%dma_start3A_722, %dma_start3A_723, %dma_start3A_724] : memref<8x50x128xf32, #tpu.memory_space<vmem>> -> memref<1x50x128xf32, #tpu.memory_space<vmem>>
      %dma_start3A_726 = tpu.memref_squeeze %dma_start3A_725 : memref<1x50x128xf32, #tpu.memory_space<vmem>> -> memref<50x128xf32, #tpu.memory_space<vmem>>
      %dma_start3A_727 = arith.constant 0 : i32
      %dma_start3A_728 = arith.constant 0 : i32
      %dma_start3A_729 = tpu.memref_slice %arg4[%add3A_721, %dma_start3A_727, %dma_start3A_728] : memref<4096x50x128xf32, #tpu.memory_space<hbm>> -> memref<1x50x128xf32, #tpu.memory_space<hbm>>
      %dma_start3A_730 = tpu.memref_squeeze %dma_start3A_729 : memref<1x50x128xf32, #tpu.memory_space<hbm>> -> memref<50x128xf32, #tpu.memory_space<hbm>>
      %dma_start3A_731 = arith.constant 0 : i32
      %dma_start3A_732 = arith.constant 0 : i32
      %dma_start3A_733 = tpu.memref_slice %arg4[%add3A_721, %dma_start3A_731, %dma_start3A_732] : memref<4096x50x128xf32, #tpu.memory_space<hbm>> -> memref<1x50x128xf32, #tpu.memory_space<hbm>>
      %dma_start3A_734 = tpu.memref_squeeze %dma_start3A_733 : memref<1x50x128xf32, #tpu.memory_space<hbm>> -> memref<50x128xf32, #tpu.memory_space<hbm>>
      %dma_start3A_735 = arith.constant 0 : i32
      %dma_start3A_736 = arith.constant 0 : i32
      %dma_start3A_737 = tpu.memref_slice %arg6[%dma_start3A_722, %dma_start3A_735, %dma_start3A_736] : memref<8x50x128xf32, #tpu.memory_space<vmem>> -> memref<1x50x128xf32, #tpu.memory_space<vmem>>
      %dma_start3A_738 = tpu.memref_squeeze %dma_start3A_737 : memref<1x50x128xf32, #tpu.memory_space<vmem>> -> memref<50x128xf32, #tpu.memory_space<vmem>>
      tpu.enqueue_dma source(%dma_start3A_738 : memref<50x128xf32, #tpu.memory_space<vmem>>) target(%dma_start3A_734 : memref<50x128xf32, #tpu.memory_space<hbm>>) target_semaphore(%arg22 : memref<!tpu.dma_semaphore, #tpu.memory_space<semaphore_mem>>)
      %add3A_739 = arith.constant 0 : i32
      %add3A_740 = arith.addi %mul3A_474, %add3A_739 : i32
      %add3A_741 = arith.addi %mul3A_2, %add3A_740 : i32
      %dma_wait3A_742 = arith.constant 0 : i32
      %dma_wait3A_743 = arith.constant 0 : i32
      %dma_wait3A_744 = arith.constant 0 : i32
      %dma_wait3A_745 = tpu.memref_slice %arg6[%dma_wait3A_742, %dma_wait3A_743, %dma_wait3A_744] : memref<8x50x128xf32, #tpu.memory_space<vmem>> -> memref<1x50x128xf32, #tpu.memory_space<vmem>>
      %dma_wait3A_746 = tpu.memref_squeeze %dma_wait3A_745 : memref<1x50x128xf32, #tpu.memory_space<vmem>> -> memref<50x128xf32, #tpu.memory_space<vmem>>
      %dma_wait3A_747 = arith.constant 0 : i32
      %dma_wait3A_748 = arith.constant 0 : i32
      %dma_wait3A_749 = tpu.memref_slice %arg4[%add3A_741, %dma_wait3A_747, %dma_wait3A_748] : memref<4096x50x128xf32, #tpu.memory_space<hbm>> -> memref<1x50x128xf32, #tpu.memory_space<hbm>>
      %dma_wait3A_750 = tpu.memref_squeeze %dma_wait3A_749 : memref<1x50x128xf32, #tpu.memory_space<hbm>> -> memref<50x128xf32, #tpu.memory_space<hbm>>
      %dma_wait3A_751 = arith.constant 0 : i32
      %dma_wait3A_752 = arith.constant 0 : i32
      %dma_wait3A_753 = tpu.memref_slice %arg4[%add3A_741, %dma_wait3A_751, %dma_wait3A_752] : memref<4096x50x128xf32, #tpu.memory_space<hbm>> -> memref<1x50x128xf32, #tpu.memory_space<hbm>>
      %dma_wait3A_754 = tpu.memref_squeeze %dma_wait3A_753 : memref<1x50x128xf32, #tpu.memory_space<hbm>> -> memref<50x128xf32, #tpu.memory_space<hbm>>
      %dma_wait3A_755 = arith.constant 0 : i32
      %dma_wait3A_756 = arith.constant 0 : i32
      %dma_wait3A_757 = tpu.memref_slice %arg6[%dma_wait3A_742, %dma_wait3A_755, %dma_wait3A_756] : memref<8x50x128xf32, #tpu.memory_space<vmem>> -> memref<1x50x128xf32, #tpu.memory_space<vmem>>
      %dma_wait3A_758 = tpu.memref_squeeze %dma_wait3A_757 : memref<1x50x128xf32, #tpu.memory_space<vmem>> -> memref<50x128xf32, #tpu.memory_space<vmem>>
      tpu.wait_dma2 semaphore(%arg15 : memref<!tpu.dma_semaphore, #tpu.memory_space<semaphore_mem>>) src(%dma_wait3A_758 : memref<50x128xf32, #tpu.memory_space<vmem>>) dst(%dma_wait3A_754 : memref<50x128xf32, #tpu.memory_space<hbm>>)
      %add3A_759 = arith.constant 8 : i32
      %add3A_760 = arith.addi %mul3A_474, %add3A_759 : i32
      %add3A_761 = arith.constant 0 : i32
      %add3A_762 = arith.addi %add3A_760, %add3A_761 : i32
      %mul3A_763 = arith.constant 56 : i32
      %mul3A_764 = arith.muli %add3A_762, %mul3A_763 : i32
      %dma_start3A_765 = arith.constant 0 : i32
      %dma_start3A_766 = arith.constant 0 : i32
      %dma_start3A_767 = arith.constant 0 : i32
      %dma_start3A_768 = tpu.memref_slice %arg6[%dma_start3A_765, %dma_start3A_766, %dma_start3A_767] : memref<8x50x128xf32, #tpu.memory_space<vmem>> -> memref<1x50x128xf32, #tpu.memory_space<vmem>>
      %dma_start3A_769 = tpu.memref_squeeze %dma_start3A_768 : memref<1x50x128xf32, #tpu.memory_space<vmem>> -> memref<50x128xf32, #tpu.memory_space<vmem>>
      %dma_start3A_770 = tpu.memref_slice %arg5[%mul3A_764] : memref<7168xi32, #tpu.memory_space<vmem>> -> memref<50xi32, #tpu.memory_space<vmem>>
      %dma_start3A_771 = arith.constant 0 : i32
      %dma_start3A_772 = arith.constant 0 : i32
      %dma_start3A_773 = tpu.memref_slice %arg3[%dma_start3A_771, %dma_start3A_772] : memref<10000x128xf32, #tpu.memory_space<hbm>> -> memref<10000x128xf32, #tpu.memory_space<hbm>>
      tpu.enqueue_indirect_dma source(%dma_start3A_773 : memref<10000x128xf32, #tpu.memory_space<hbm>>) target(%dma_start3A_769 : memref<50x128xf32, #tpu.memory_space<vmem>>) offsets(%dma_start3A_770 : memref<50xi32, #tpu.memory_space<vmem>>) semaphore(%arg7 : memref<!tpu.dma_semaphore, #tpu.memory_space<semaphore_mem>>)
      %add3A_774 = arith.constant 1 : i32
      %add3A_775 = arith.addi %mul3A_474, %add3A_774 : i32
      %add3A_776 = arith.addi %mul3A_2, %add3A_775 : i32
      %dma_wait3A_777 = arith.constant 1 : i32
      %dma_wait3A_778 = arith.constant 0 : i32
      %dma_wait3A_779 = arith.constant 0 : i32
      %dma_wait3A_780 = tpu.memref_slice %arg6[%dma_wait3A_777, %dma_wait3A_778, %dma_wait3A_779] : memref<8x50x128xf32, #tpu.memory_space<vmem>> -> memref<1x50x128xf32, #tpu.memory_space<vmem>>
      %dma_wait3A_781 = tpu.memref_squeeze %dma_wait3A_780 : memref<1x50x128xf32, #tpu.memory_space<vmem>> -> memref<50x128xf32, #tpu.memory_space<vmem>>
      %dma_wait3A_782 = arith.constant 0 : i32
      %dma_wait3A_783 = arith.constant 0 : i32
      %dma_wait3A_784 = tpu.memref_slice %arg4[%add3A_776, %dma_wait3A_782, %dma_wait3A_783] : memref<4096x50x128xf32, #tpu.memory_space<hbm>> -> memref<1x50x128xf32, #tpu.memory_space<hbm>>
      %dma_wait3A_785 = tpu.memref_squeeze %dma_wait3A_784 : memref<1x50x128xf32, #tpu.memory_space<hbm>> -> memref<50x128xf32, #tpu.memory_space<hbm>>
      %dma_wait3A_786 = arith.constant 0 : i32
      %dma_wait3A_787 = arith.constant 0 : i32
      %dma_wait3A_788 = tpu.memref_slice %arg4[%add3A_776, %dma_wait3A_786, %dma_wait3A_787] : memref<4096x50x128xf32, #tpu.memory_space<hbm>> -> memref<1x50x128xf32, #tpu.memory_space<hbm>>
      %dma_wait3A_789 = tpu.memref_squeeze %dma_wait3A_788 : memref<1x50x128xf32, #tpu.memory_space<hbm>> -> memref<50x128xf32, #tpu.memory_space<hbm>>
      %dma_wait3A_790 = arith.constant 0 : i32
      %dma_wait3A_791 = arith.constant 0 : i32
      %dma_wait3A_792 = tpu.memref_slice %arg6[%dma_wait3A_777, %dma_wait3A_790, %dma_wait3A_791] : memref<8x50x128xf32, #tpu.memory_space<vmem>> -> memref<1x50x128xf32, #tpu.memory_space<vmem>>
      %dma_wait3A_793 = tpu.memref_squeeze %dma_wait3A_792 : memref<1x50x128xf32, #tpu.memory_space<vmem>> -> memref<50x128xf32, #tpu.memory_space<vmem>>
      tpu.wait_dma2 semaphore(%arg16 : memref<!tpu.dma_semaphore, #tpu.memory_space<semaphore_mem>>) src(%dma_wait3A_793 : memref<50x128xf32, #tpu.memory_space<vmem>>) dst(%dma_wait3A_789 : memref<50x128xf32, #tpu.memory_space<hbm>>)
      %add3A_794 = arith.constant 8 : i32
      %add3A_795 = arith.addi %mul3A_474, %add3A_794 : i32
      %add3A_796 = arith.constant 1 : i32
      %add3A_797 = arith.addi %add3A_795, %add3A_796 : i32
      %mul3A_798 = arith.constant 56 : i32
      %mul3A_799 = arith.muli %add3A_797, %mul3A_798 : i32
      %dma_start3A_800 = arith.constant 1 : i32
      %dma_start3A_801 = arith.constant 0 : i32
      %dma_start3A_802 = arith.constant 0 : i32
      %dma_start3A_803 = tpu.memref_slice %arg6[%dma_start3A_800, %dma_start3A_801, %dma_start3A_802] : memref<8x50x128xf32, #tpu.memory_space<vmem>> -> memref<1x50x128xf32, #tpu.memory_space<vmem>>
      %dma_start3A_804 = tpu.memref_squeeze %dma_start3A_803 : memref<1x50x128xf32, #tpu.memory_space<vmem>> -> memref<50x128xf32, #tpu.memory_space<vmem>>
      %dma_start3A_805 = tpu.memref_slice %arg5[%mul3A_799] : memref<7168xi32, #tpu.memory_space<vmem>> -> memref<50xi32, #tpu.memory_space<vmem>>
      %dma_start3A_806 = arith.constant 0 : i32
      %dma_start3A_807 = arith.constant 0 : i32
      %dma_start3A_808 = tpu.memref_slice %arg3[%dma_start3A_806, %dma_start3A_807] : memref<10000x128xf32, #tpu.memory_space<hbm>> -> memref<10000x128xf32, #tpu.memory_space<hbm>>
      tpu.enqueue_indirect_dma source(%dma_start3A_808 : memref<10000x128xf32, #tpu.memory_space<hbm>>) target(%dma_start3A_804 : memref<50x128xf32, #tpu.memory_space<vmem>>) offsets(%dma_start3A_805 : memref<50xi32, #tpu.memory_space<vmem>>) semaphore(%arg8 : memref<!tpu.dma_semaphore, #tpu.memory_space<semaphore_mem>>)
      %add3A_809 = arith.constant 2 : i32
      %add3A_810 = arith.addi %mul3A_474, %add3A_809 : i32
      %add3A_811 = arith.addi %mul3A_2, %add3A_810 : i32
      %dma_wait3A_812 = arith.constant 2 : i32
      %dma_wait3A_813 = arith.constant 0 : i32
      %dma_wait3A_814 = arith.constant 0 : i32
      %dma_wait3A_815 = tpu.memref_slice %arg6[%dma_wait3A_812, %dma_wait3A_813, %dma_wait3A_814] : memref<8x50x128xf32, #tpu.memory_space<vmem>> -> memref<1x50x128xf32, #tpu.memory_space<vmem>>
      %dma_wait3A_816 = tpu.memref_squeeze %dma_wait3A_815 : memref<1x50x128xf32, #tpu.memory_space<vmem>> -> memref<50x128xf32, #tpu.memory_space<vmem>>
      %dma_wait3A_817 = arith.constant 0 : i32
      %dma_wait3A_818 = arith.constant 0 : i32
      %dma_wait3A_819 = tpu.memref_slice %arg4[%add3A_811, %dma_wait3A_817, %dma_wait3A_818] : memref<4096x50x128xf32, #tpu.memory_space<hbm>> -> memref<1x50x128xf32, #tpu.memory_space<hbm>>
      %dma_wait3A_820 = tpu.memref_squeeze %dma_wait3A_819 : memref<1x50x128xf32, #tpu.memory_space<hbm>> -> memref<50x128xf32, #tpu.memory_space<hbm>>
      %dma_wait3A_821 = arith.constant 0 : i32
      %dma_wait3A_822 = arith.constant 0 : i32
      %dma_wait3A_823 = tpu.memref_slice %arg4[%add3A_811, %dma_wait3A_821, %dma_wait3A_822] : memref<4096x50x128xf32, #tpu.memory_space<hbm>> -> memref<1x50x128xf32, #tpu.memory_space<hbm>>
      %dma_wait3A_824 = tpu.memref_squeeze %dma_wait3A_823 : memref<1x50x128xf32, #tpu.memory_space<hbm>> -> memref<50x128xf32, #tpu.memory_space<hbm>>
      %dma_wait3A_825 = arith.constant 0 : i32
      %dma_wait3A_826 = arith.constant 0 : i32
      %dma_wait3A_827 = tpu.memref_slice %arg6[%dma_wait3A_812, %dma_wait3A_825, %dma_wait3A_826] : memref<8x50x128xf32, #tpu.memory_space<vmem>> -> memref<1x50x128xf32, #tpu.memory_space<vmem>>
      %dma_wait3A_828 = tpu.memref_squeeze %dma_wait3A_827 : memref<1x50x128xf32, #tpu.memory_space<vmem>> -> memref<50x128xf32, #tpu.memory_space<vmem>>
      tpu.wait_dma2 semaphore(%arg17 : memref<!tpu.dma_semaphore, #tpu.memory_space<semaphore_mem>>) src(%dma_wait3A_828 : memref<50x128xf32, #tpu.memory_space<vmem>>) dst(%dma_wait3A_824 : memref<50x128xf32, #tpu.memory_space<hbm>>)
      %add3A_829 = arith.constant 8 : i32
      %add3A_830 = arith.addi %mul3A_474, %add3A_829 : i32
      %add3A_831 = arith.constant 2 : i32
      %add3A_832 = arith.addi %add3A_830, %add3A_831 : i32
      %mul3A_833 = arith.constant 56 : i32
      %mul3A_834 = arith.muli %add3A_832, %mul3A_833 : i32
      %dma_start3A_835 = arith.constant 2 : i32
      %dma_start3A_836 = arith.constant 0 : i32
      %dma_start3A_837 = arith.constant 0 : i32
      %dma_start3A_838 = tpu.memref_slice %arg6[%dma_start3A_835, %dma_start3A_836, %dma_start3A_837] : memref<8x50x128xf32, #tpu.memory_space<vmem>> -> memref<1x50x128xf32, #tpu.memory_space<vmem>>
      %dma_start3A_839 = tpu.memref_squeeze %dma_start3A_838 : memref<1x50x128xf32, #tpu.memory_space<vmem>> -> memref<50x128xf32, #tpu.memory_space<vmem>>
      %dma_start3A_840 = tpu.memref_slice %arg5[%mul3A_834] : memref<7168xi32, #tpu.memory_space<vmem>> -> memref<50xi32, #tpu.memory_space<vmem>>
      %dma_start3A_841 = arith.constant 0 : i32
      %dma_start3A_842 = arith.constant 0 : i32
      %dma_start3A_843 = tpu.memref_slice %arg3[%dma_start3A_841, %dma_start3A_842] : memref<10000x128xf32, #tpu.memory_space<hbm>> -> memref<10000x128xf32, #tpu.memory_space<hbm>>
      tpu.enqueue_indirect_dma source(%dma_start3A_843 : memref<10000x128xf32, #tpu.memory_space<hbm>>) target(%dma_start3A_839 : memref<50x128xf32, #tpu.memory_space<vmem>>) offsets(%dma_start3A_840 : memref<50xi32, #tpu.memory_space<vmem>>) semaphore(%arg9 : memref<!tpu.dma_semaphore, #tpu.memory_space<semaphore_mem>>)
      %add3A_844 = arith.constant 3 : i32
      %add3A_845 = arith.addi %mul3A_474, %add3A_844 : i32
      %add3A_846 = arith.addi %mul3A_2, %add3A_845 : i32
      %dma_wait3A_847 = arith.constant 3 : i32
      %dma_wait3A_848 = arith.constant 0 : i32
      %dma_wait3A_849 = arith.constant 0 : i32
      %dma_wait3A_850 = tpu.memref_slice %arg6[%dma_wait3A_847, %dma_wait3A_848, %dma_wait3A_849] : memref<8x50x128xf32, #tpu.memory_space<vmem>> -> memref<1x50x128xf32, #tpu.memory_space<vmem>>
      %dma_wait3A_851 = tpu.memref_squeeze %dma_wait3A_850 : memref<1x50x128xf32, #tpu.memory_space<vmem>> -> memref<50x128xf32, #tpu.memory_space<vmem>>
      %dma_wait3A_852 = arith.constant 0 : i32
      %dma_wait3A_853 = arith.constant 0 : i32
      %dma_wait3A_854 = tpu.memref_slice %arg4[%add3A_846, %dma_wait3A_852, %dma_wait3A_853] : memref<4096x50x128xf32, #tpu.memory_space<hbm>> -> memref<1x50x128xf32, #tpu.memory_space<hbm>>
      %dma_wait3A_855 = tpu.memref_squeeze %dma_wait3A_854 : memref<1x50x128xf32, #tpu.memory_space<hbm>> -> memref<50x128xf32, #tpu.memory_space<hbm>>
      %dma_wait3A_856 = arith.constant 0 : i32
      %dma_wait3A_857 = arith.constant 0 : i32
      %dma_wait3A_858 = tpu.memref_slice %arg4[%add3A_846, %dma_wait3A_856, %dma_wait3A_857] : memref<4096x50x128xf32, #tpu.memory_space<hbm>> -> memref<1x50x128xf32, #tpu.memory_space<hbm>>
      %dma_wait3A_859 = tpu.memref_squeeze %dma_wait3A_858 : memref<1x50x128xf32, #tpu.memory_space<hbm>> -> memref<50x128xf32, #tpu.memory_space<hbm>>
      %dma_wait3A_860 = arith.constant 0 : i32
      %dma_wait3A_861 = arith.constant 0 : i32
      %dma_wait3A_862 = tpu.memref_slice %arg6[%dma_wait3A_847, %dma_wait3A_860, %dma_wait3A_861] : memref<8x50x128xf32, #tpu.memory_space<vmem>> -> memref<1x50x128xf32, #tpu.memory_space<vmem>>
      %dma_wait3A_863 = tpu.memref_squeeze %dma_wait3A_862 : memref<1x50x128xf32, #tpu.memory_space<vmem>> -> memref<50x128xf32, #tpu.memory_space<vmem>>
      tpu.wait_dma2 semaphore(%arg18 : memref<!tpu.dma_semaphore, #tpu.memory_space<semaphore_mem>>) src(%dma_wait3A_863 : memref<50x128xf32, #tpu.memory_space<vmem>>) dst(%dma_wait3A_859 : memref<50x128xf32, #tpu.memory_space<hbm>>)
      %add3A_864 = arith.constant 8 : i32
      %add3A_865 = arith.addi %mul3A_474, %add3A_864 : i32
      %add3A_866 = arith.constant 3 : i32
      %add3A_867 = arith.addi %add3A_865, %add3A_866 : i32
      %mul3A_868 = arith.constant 56 : i32
      %mul3A_869 = arith.muli %add3A_867, %mul3A_868 : i32
      %dma_start3A_870 = arith.constant 3 : i32
      %dma_start3A_871 = arith.constant 0 : i32
      %dma_start3A_872 = arith.constant 0 : i32
      %dma_start3A_873 = tpu.memref_slice %arg6[%dma_start3A_870, %dma_start3A_871, %dma_start3A_872] : memref<8x50x128xf32, #tpu.memory_space<vmem>> -> memref<1x50x128xf32, #tpu.memory_space<vmem>>
      %dma_start3A_874 = tpu.memref_squeeze %dma_start3A_873 : memref<1x50x128xf32, #tpu.memory_space<vmem>> -> memref<50x128xf32, #tpu.memory_space<vmem>>
      %dma_start3A_875 = tpu.memref_slice %arg5[%mul3A_869] : memref<7168xi32, #tpu.memory_space<vmem>> -> memref<50xi32, #tpu.memory_space<vmem>>
      %dma_start3A_876 = arith.constant 0 : i32
      %dma_start3A_877 = arith.constant 0 : i32
      %dma_start3A_878 = tpu.memref_slice %arg3[%dma_start3A_876, %dma_start3A_877] : memref<10000x128xf32, #tpu.memory_space<hbm>> -> memref<10000x128xf32, #tpu.memory_space<hbm>>
      tpu.enqueue_indirect_dma source(%dma_start3A_878 : memref<10000x128xf32, #tpu.memory_space<hbm>>) target(%dma_start3A_874 : memref<50x128xf32, #tpu.memory_space<vmem>>) offsets(%dma_start3A_875 : memref<50xi32, #tpu.memory_space<vmem>>) semaphore(%arg10 : memref<!tpu.dma_semaphore, #tpu.memory_space<semaphore_mem>>)
      %add3A_879 = arith.constant 4 : i32
      %add3A_880 = arith.addi %mul3A_474, %add3A_879 : i32
      %add3A_881 = arith.addi %mul3A_2, %add3A_880 : i32
      %dma_wait3A_882 = arith.constant 4 : i32
      %dma_wait3A_883 = arith.constant 0 : i32
      %dma_wait3A_884 = arith.constant 0 : i32
      %dma_wait3A_885 = tpu.memref_slice %arg6[%dma_wait3A_882, %dma_wait3A_883, %dma_wait3A_884] : memref<8x50x128xf32, #tpu.memory_space<vmem>> -> memref<1x50x128xf32, #tpu.memory_space<vmem>>
      %dma_wait3A_886 = tpu.memref_squeeze %dma_wait3A_885 : memref<1x50x128xf32, #tpu.memory_space<vmem>> -> memref<50x128xf32, #tpu.memory_space<vmem>>
      %dma_wait3A_887 = arith.constant 0 : i32
      %dma_wait3A_888 = arith.constant 0 : i32
      %dma_wait3A_889 = tpu.memref_slice %arg4[%add3A_881, %dma_wait3A_887, %dma_wait3A_888] : memref<4096x50x128xf32, #tpu.memory_space<hbm>> -> memref<1x50x128xf32, #tpu.memory_space<hbm>>
      %dma_wait3A_890 = tpu.memref_squeeze %dma_wait3A_889 : memref<1x50x128xf32, #tpu.memory_space<hbm>> -> memref<50x128xf32, #tpu.memory_space<hbm>>
      %dma_wait3A_891 = arith.constant 0 : i32
      %dma_wait3A_892 = arith.constant 0 : i32
      %dma_wait3A_893 = tpu.memref_slice %arg4[%add3A_881, %dma_wait3A_891, %dma_wait3A_892] : memref<4096x50x128xf32, #tpu.memory_space<hbm>> -> memref<1x50x128xf32, #tpu.memory_space<hbm>>
      %dma_wait3A_894 = tpu.memref_squeeze %dma_wait3A_893 : memref<1x50x128xf32, #tpu.memory_space<hbm>> -> memref<50x128xf32, #tpu.memory_space<hbm>>
      %dma_wait3A_895 = arith.constant 0 : i32
      %dma_wait3A_896 = arith.constant 0 : i32
      %dma_wait3A_897 = tpu.memref_slice %arg6[%dma_wait3A_882, %dma_wait3A_895, %dma_wait3A_896] : memref<8x50x128xf32, #tpu.memory_space<vmem>> -> memref<1x50x128xf32, #tpu.memory_space<vmem>>
      %dma_wait3A_898 = tpu.memref_squeeze %dma_wait3A_897 : memref<1x50x128xf32, #tpu.memory_space<vmem>> -> memref<50x128xf32, #tpu.memory_space<vmem>>
      tpu.wait_dma2 semaphore(%arg19 : memref<!tpu.dma_semaphore, #tpu.memory_space<semaphore_mem>>) src(%dma_wait3A_898 : memref<50x128xf32, #tpu.memory_space<vmem>>) dst(%dma_wait3A_894 : memref<50x128xf32, #tpu.memory_space<hbm>>)
      %add3A_899 = arith.constant 8 : i32
      %add3A_900 = arith.addi %mul3A_474, %add3A_899 : i32
      %add3A_901 = arith.constant 4 : i32
      %add3A_902 = arith.addi %add3A_900, %add3A_901 : i32
      %mul3A_903 = arith.constant 56 : i32
      %mul3A_904 = arith.muli %add3A_902, %mul3A_903 : i32
      %dma_start3A_905 = arith.constant 4 : i32
      %dma_start3A_906 = arith.constant 0 : i32
      %dma_start3A_907 = arith.constant 0 : i32
      %dma_start3A_908 = tpu.memref_slice %arg6[%dma_start3A_905, %dma_start3A_906, %dma_start3A_907] : memref<8x50x128xf32, #tpu.memory_space<vmem>> -> memref<1x50x128xf32, #tpu.memory_space<vmem>>
      %dma_start3A_909 = tpu.memref_squeeze %dma_start3A_908 : memref<1x50x128xf32, #tpu.memory_space<vmem>> -> memref<50x128xf32, #tpu.memory_space<vmem>>
      %dma_start3A_910 = tpu.memref_slice %arg5[%mul3A_904] : memref<7168xi32, #tpu.memory_space<vmem>> -> memref<50xi32, #tpu.memory_space<vmem>>
      %dma_start3A_911 = arith.constant 0 : i32
      %dma_start3A_912 = arith.constant 0 : i32
      %dma_start3A_913 = tpu.memref_slice %arg3[%dma_start3A_911, %dma_start3A_912] : memref<10000x128xf32, #tpu.memory_space<hbm>> -> memref<10000x128xf32, #tpu.memory_space<hbm>>
      tpu.enqueue_indirect_dma source(%dma_start3A_913 : memref<10000x128xf32, #tpu.memory_space<hbm>>) target(%dma_start3A_909 : memref<50x128xf32, #tpu.memory_space<vmem>>) offsets(%dma_start3A_910 : memref<50xi32, #tpu.memory_space<vmem>>) semaphore(%arg11 : memref<!tpu.dma_semaphore, #tpu.memory_space<semaphore_mem>>)
      %add3A_914 = arith.constant 5 : i32
      %add3A_915 = arith.addi %mul3A_474, %add3A_914 : i32
      %add3A_916 = arith.addi %mul3A_2, %add3A_915 : i32
      %dma_wait3A_917 = arith.constant 5 : i32
      %dma_wait3A_918 = arith.constant 0 : i32
      %dma_wait3A_919 = arith.constant 0 : i32
      %dma_wait3A_920 = tpu.memref_slice %arg6[%dma_wait3A_917, %dma_wait3A_918, %dma_wait3A_919] : memref<8x50x128xf32, #tpu.memory_space<vmem>> -> memref<1x50x128xf32, #tpu.memory_space<vmem>>
      %dma_wait3A_921 = tpu.memref_squeeze %dma_wait3A_920 : memref<1x50x128xf32, #tpu.memory_space<vmem>> -> memref<50x128xf32, #tpu.memory_space<vmem>>
      %dma_wait3A_922 = arith.constant 0 : i32
      %dma_wait3A_923 = arith.constant 0 : i32
      %dma_wait3A_924 = tpu.memref_slice %arg4[%add3A_916, %dma_wait3A_922, %dma_wait3A_923] : memref<4096x50x128xf32, #tpu.memory_space<hbm>> -> memref<1x50x128xf32, #tpu.memory_space<hbm>>
      %dma_wait3A_925 = tpu.memref_squeeze %dma_wait3A_924 : memref<1x50x128xf32, #tpu.memory_space<hbm>> -> memref<50x128xf32, #tpu.memory_space<hbm>>
      %dma_wait3A_926 = arith.constant 0 : i32
      %dma_wait3A_927 = arith.constant 0 : i32
      %dma_wait3A_928 = tpu.memref_slice %arg4[%add3A_916, %dma_wait3A_926, %dma_wait3A_927] : memref<4096x50x128xf32, #tpu.memory_space<hbm>> -> memref<1x50x128xf32, #tpu.memory_space<hbm>>
      %dma_wait3A_929 = tpu.memref_squeeze %dma_wait3A_928 : memref<1x50x128xf32, #tpu.memory_space<hbm>> -> memref<50x128xf32, #tpu.memory_space<hbm>>
      %dma_wait3A_930 = arith.constant 0 : i32
      %dma_wait3A_931 = arith.constant 0 : i32
      %dma_wait3A_932 = tpu.memref_slice %arg6[%dma_wait3A_917, %dma_wait3A_930, %dma_wait3A_931] : memref<8x50x128xf32, #tpu.memory_space<vmem>> -> memref<1x50x128xf32, #tpu.memory_space<vmem>>
      %dma_wait3A_933 = tpu.memref_squeeze %dma_wait3A_932 : memref<1x50x128xf32, #tpu.memory_space<vmem>> -> memref<50x128xf32, #tpu.memory_space<vmem>>
      tpu.wait_dma2 semaphore(%arg20 : memref<!tpu.dma_semaphore, #tpu.memory_space<semaphore_mem>>) src(%dma_wait3A_933 : memref<50x128xf32, #tpu.memory_space<vmem>>) dst(%dma_wait3A_929 : memref<50x128xf32, #tpu.memory_space<hbm>>)
      %add3A_934 = arith.constant 8 : i32
      %add3A_935 = arith.addi %mul3A_474, %add3A_934 : i32
      %add3A_936 = arith.constant 5 : i32
      %add3A_937 = arith.addi %add3A_935, %add3A_936 : i32
      %mul3A_938 = arith.constant 56 : i32
      %mul3A_939 = arith.muli %add3A_937, %mul3A_938 : i32
      %dma_start3A_940 = arith.constant 5 : i32
      %dma_start3A_941 = arith.constant 0 : i32
      %dma_start3A_942 = arith.constant 0 : i32
      %dma_start3A_943 = tpu.memref_slice %arg6[%dma_start3A_940, %dma_start3A_941, %dma_start3A_942] : memref<8x50x128xf32, #tpu.memory_space<vmem>> -> memref<1x50x128xf32, #tpu.memory_space<vmem>>
      %dma_start3A_944 = tpu.memref_squeeze %dma_start3A_943 : memref<1x50x128xf32, #tpu.memory_space<vmem>> -> memref<50x128xf32, #tpu.memory_space<vmem>>
      %dma_start3A_945 = tpu.memref_slice %arg5[%mul3A_939] : memref<7168xi32, #tpu.memory_space<vmem>> -> memref<50xi32, #tpu.memory_space<vmem>>
      %dma_start3A_946 = arith.constant 0 : i32
      %dma_start3A_947 = arith.constant 0 : i32
      %dma_start3A_948 = tpu.memref_slice %arg3[%dma_start3A_946, %dma_start3A_947] : memref<10000x128xf32, #tpu.memory_space<hbm>> -> memref<10000x128xf32, #tpu.memory_space<hbm>>
      tpu.enqueue_indirect_dma source(%dma_start3A_948 : memref<10000x128xf32, #tpu.memory_space<hbm>>) target(%dma_start3A_944 : memref<50x128xf32, #tpu.memory_space<vmem>>) offsets(%dma_start3A_945 : memref<50xi32, #tpu.memory_space<vmem>>) semaphore(%arg12 : memref<!tpu.dma_semaphore, #tpu.memory_space<semaphore_mem>>)
      %add3A_949 = arith.constant 6 : i32
      %add3A_950 = arith.addi %mul3A_474, %add3A_949 : i32
      %add3A_951 = arith.addi %mul3A_2, %add3A_950 : i32
      %dma_wait3A_952 = arith.constant 6 : i32
      %dma_wait3A_953 = arith.constant 0 : i32
      %dma_wait3A_954 = arith.constant 0 : i32
      %dma_wait3A_955 = tpu.memref_slice %arg6[%dma_wait3A_952, %dma_wait3A_953, %dma_wait3A_954] : memref<8x50x128xf32, #tpu.memory_space<vmem>> -> memref<1x50x128xf32, #tpu.memory_space<vmem>>
      %dma_wait3A_956 = tpu.memref_squeeze %dma_wait3A_955 : memref<1x50x128xf32, #tpu.memory_space<vmem>> -> memref<50x128xf32, #tpu.memory_space<vmem>>
      %dma_wait3A_957 = arith.constant 0 : i32
      %dma_wait3A_958 = arith.constant 0 : i32
      %dma_wait3A_959 = tpu.memref_slice %arg4[%add3A_951, %dma_wait3A_957, %dma_wait3A_958] : memref<4096x50x128xf32, #tpu.memory_space<hbm>> -> memref<1x50x128xf32, #tpu.memory_space<hbm>>
      %dma_wait3A_960 = tpu.memref_squeeze %dma_wait3A_959 : memref<1x50x128xf32, #tpu.memory_space<hbm>> -> memref<50x128xf32, #tpu.memory_space<hbm>>
      %dma_wait3A_961 = arith.constant 0 : i32
      %dma_wait3A_962 = arith.constant 0 : i32
      %dma_wait3A_963 = tpu.memref_slice %arg4[%add3A_951, %dma_wait3A_961, %dma_wait3A_962] : memref<4096x50x128xf32, #tpu.memory_space<hbm>> -> memref<1x50x128xf32, #tpu.memory_space<hbm>>
      %dma_wait3A_964 = tpu.memref_squeeze %dma_wait3A_963 : memref<1x50x128xf32, #tpu.memory_space<hbm>> -> memref<50x128xf32, #tpu.memory_space<hbm>>
      %dma_wait3A_965 = arith.constant 0 : i32
      %dma_wait3A_966 = arith.constant 0 : i32
      %dma_wait3A_967 = tpu.memref_slice %arg6[%dma_wait3A_952, %dma_wait3A_965, %dma_wait3A_966] : memref<8x50x128xf32, #tpu.memory_space<vmem>> -> memref<1x50x128xf32, #tpu.memory_space<vmem>>
      %dma_wait3A_968 = tpu.memref_squeeze %dma_wait3A_967 : memref<1x50x128xf32, #tpu.memory_space<vmem>> -> memref<50x128xf32, #tpu.memory_space<vmem>>
      tpu.wait_dma2 semaphore(%arg21 : memref<!tpu.dma_semaphore, #tpu.memory_space<semaphore_mem>>) src(%dma_wait3A_968 : memref<50x128xf32, #tpu.memory_space<vmem>>) dst(%dma_wait3A_964 : memref<50x128xf32, #tpu.memory_space<hbm>>)
      %add3A_969 = arith.constant 8 : i32
      %add3A_970 = arith.addi %mul3A_474, %add3A_969 : i32
      %add3A_971 = arith.constant 6 : i32
      %add3A_972 = arith.addi %add3A_970, %add3A_971 : i32
      %mul3A_973 = arith.constant 56 : i32
      %mul3A_974 = arith.muli %add3A_972, %mul3A_973 : i32
      %dma_start3A_975 = arith.constant 6 : i32
      %dma_start3A_976 = arith.constant 0 : i32
      %dma_start3A_977 = arith.constant 0 : i32
      %dma_start3A_978 = tpu.memref_slice %arg6[%dma_start3A_975, %dma_start3A_976, %dma_start3A_977] : memref<8x50x128xf32, #tpu.memory_space<vmem>> -> memref<1x50x128xf32, #tpu.memory_space<vmem>>
      %dma_start3A_979 = tpu.memref_squeeze %dma_start3A_978 : memref<1x50x128xf32, #tpu.memory_space<vmem>> -> memref<50x128xf32, #tpu.memory_space<vmem>>
      %dma_start3A_980 = tpu.memref_slice %arg5[%mul3A_974] : memref<7168xi32, #tpu.memory_space<vmem>> -> memref<50xi32, #tpu.memory_space<vmem>>
      %dma_start3A_981 = arith.constant 0 : i32
      %dma_start3A_982 = arith.constant 0 : i32
      %dma_start3A_983 = tpu.memref_slice %arg3[%dma_start3A_981, %dma_start3A_982] : memref<10000x128xf32, #tpu.memory_space<hbm>> -> memref<10000x128xf32, #tpu.memory_space<hbm>>
      tpu.enqueue_indirect_dma source(%dma_start3A_983 : memref<10000x128xf32, #tpu.memory_space<hbm>>) target(%dma_start3A_979 : memref<50x128xf32, #tpu.memory_space<vmem>>) offsets(%dma_start3A_980 : memref<50xi32, #tpu.memory_space<vmem>>) semaphore(%arg13 : memref<!tpu.dma_semaphore, #tpu.memory_space<semaphore_mem>>)
      %add3A_984 = arith.constant 7 : i32
      %add3A_985 = arith.addi %mul3A_474, %add3A_984 : i32
      %add3A_986 = arith.addi %mul3A_2, %add3A_985 : i32
      %dma_wait3A_987 = arith.constant 7 : i32
      %dma_wait3A_988 = arith.constant 0 : i32
      %dma_wait3A_989 = arith.constant 0 : i32
      %dma_wait3A_990 = tpu.memref_slice %arg6[%dma_wait3A_987, %dma_wait3A_988, %dma_wait3A_989] : memref<8x50x128xf32, #tpu.memory_space<vmem>> -> memref<1x50x128xf32, #tpu.memory_space<vmem>>
      %dma_wait3A_991 = tpu.memref_squeeze %dma_wait3A_990 : memref<1x50x128xf32, #tpu.memory_space<vmem>> -> memref<50x128xf32, #tpu.memory_space<vmem>>
      %dma_wait3A_992 = arith.constant 0 : i32
      %dma_wait3A_993 = arith.constant 0 : i32
      %dma_wait3A_994 = tpu.memref_slice %arg4[%add3A_986, %dma_wait3A_992, %dma_wait3A_993] : memref<4096x50x128xf32, #tpu.memory_space<hbm>> -> memref<1x50x128xf32, #tpu.memory_space<hbm>>
      %dma_wait3A_995 = tpu.memref_squeeze %dma_wait3A_994 : memref<1x50x128xf32, #tpu.memory_space<hbm>> -> memref<50x128xf32, #tpu.memory_space<hbm>>
      %dma_wait3A_996 = arith.constant 0 : i32
      %dma_wait3A_997 = arith.constant 0 : i32
      %dma_wait3A_998 = tpu.memref_slice %arg4[%add3A_986, %dma_wait3A_996, %dma_wait3A_997] : memref<4096x50x128xf32, #tpu.memory_space<hbm>> -> memref<1x50x128xf32, #tpu.memory_space<hbm>>
      %dma_wait3A_999 = tpu.memref_squeeze %dma_wait3A_998 : memref<1x50x128xf32, #tpu.memory_space<hbm>> -> memref<50x128xf32, #tpu.memory_space<hbm>>
      %dma_wait3A_1000 = arith.constant 0 : i32
      %dma_wait3A_1001 = arith.constant 0 : i32
      %dma_wait3A_1002 = tpu.memref_slice %arg6[%dma_wait3A_987, %dma_wait3A_1000, %dma_wait3A_1001] : memref<8x50x128xf32, #tpu.memory_space<vmem>> -> memref<1x50x128xf32, #tpu.memory_space<vmem>>
      %dma_wait3A_1003 = tpu.memref_squeeze %dma_wait3A_1002 : memref<1x50x128xf32, #tpu.memory_space<vmem>> -> memref<50x128xf32, #tpu.memory_space<vmem>>
      tpu.wait_dma2 semaphore(%arg22 : memref<!tpu.dma_semaphore, #tpu.memory_space<semaphore_mem>>) src(%dma_wait3A_1003 : memref<50x128xf32, #tpu.memory_space<vmem>>) dst(%dma_wait3A_999 : memref<50x128xf32, #tpu.memory_space<hbm>>)
      %add3A_1004 = arith.constant 8 : i32
      %add3A_1005 = arith.addi %mul3A_474, %add3A_1004 : i32
      %add3A_1006 = arith.constant 7 : i32
      %add3A_1007 = arith.addi %add3A_1005, %add3A_1006 : i32
      %mul3A_1008 = arith.constant 56 : i32
      %mul3A_1009 = arith.muli %add3A_1007, %mul3A_1008 : i32
      %dma_start3A_1010 = arith.constant 7 : i32
      %dma_start3A_1011 = arith.constant 0 : i32
      %dma_start3A_1012 = arith.constant 0 : i32
      %dma_start3A_1013 = tpu.memref_slice %arg6[%dma_start3A_1010, %dma_start3A_1011, %dma_start3A_1012] : memref<8x50x128xf32, #tpu.memory_space<vmem>> -> memref<1x50x128xf32, #tpu.memory_space<vmem>>
      %dma_start3A_1014 = tpu.memref_squeeze %dma_start3A_1013 : memref<1x50x128xf32, #tpu.memory_space<vmem>> -> memref<50x128xf32, #tpu.memory_space<vmem>>
      %dma_start3A_1015 = tpu.memref_slice %arg5[%mul3A_1009] : memref<7168xi32, #tpu.memory_space<vmem>> -> memref<50xi32, #tpu.memory_space<vmem>>
      %dma_start3A_1016 = arith.constant 0 : i32
      %dma_start3A_1017 = arith.constant 0 : i32
      %dma_start3A_1018 = tpu.memref_slice %arg3[%dma_start3A_1016, %dma_start3A_1017] : memref<10000x128xf32, #tpu.memory_space<hbm>> -> memref<10000x128xf32, #tpu.memory_space<hbm>>
      tpu.enqueue_indirect_dma source(%dma_start3A_1018 : memref<10000x128xf32, #tpu.memory_space<hbm>>) target(%dma_start3A_1014 : memref<50x128xf32, #tpu.memory_space<vmem>>) offsets(%dma_start3A_1015 : memref<50xi32, #tpu.memory_space<vmem>>) semaphore(%arg14 : memref<!tpu.dma_semaphore, #tpu.memory_space<semaphore_mem>>)
    }
    %scan3A_88 = arith.constant 15 : i32
    %dma_wait3A = arith.constant 0 : i32
    %dma_wait3A_89 = arith.constant 0 : i32
    %dma_wait3A_90 = arith.constant 0 : i32
    %dma_wait3A_91 = tpu.memref_slice %arg6[%dma_wait3A, %dma_wait3A_89, %dma_wait3A_90] : memref<8x50x128xf32, #tpu.memory_space<vmem>> -> memref<1x50x128xf32, #tpu.memory_space<vmem>>
    %dma_wait3A_92 = tpu.memref_squeeze %dma_wait3A_91 : memref<1x50x128xf32, #tpu.memory_space<vmem>> -> memref<50x128xf32, #tpu.memory_space<vmem>>
    %dma_wait3A_93 = arith.constant 6720 : i32
    %dma_wait3A_94 = tpu.memref_slice %arg5[%dma_wait3A_93] : memref<7168xi32, #tpu.memory_space<vmem>> -> memref<50xi32, #tpu.memory_space<vmem>>
    %dma_wait3A_95 = arith.constant 0 : i32
    %dma_wait3A_96 = arith.constant 0 : i32
    %dma_wait3A_97 = tpu.memref_slice %arg3[%dma_wait3A_95, %dma_wait3A_96] : memref<10000x128xf32, #tpu.memory_space<hbm>> -> memref<10000x128xf32, #tpu.memory_space<hbm>>
    tpu.wait_indirect_dma semaphore(%arg7 : memref<!tpu.dma_semaphore, #tpu.memory_space<semaphore_mem>>) src(%dma_wait3A_97 : memref<10000x128xf32, #tpu.memory_space<hbm>>) dst(%dma_wait3A_92 : memref<50x128xf32, #tpu.memory_space<vmem>>)
    %add3A_98 = arith.constant 120 : i32
    %add3A_99 = arith.addi %mul3A_2, %add3A_98 : i32
    %dma_start3A_100 = arith.constant 0 : i32
    %dma_start3A_101 = arith.constant 0 : i32
    %dma_start3A_102 = arith.constant 0 : i32
    %dma_start3A_103 = tpu.memref_slice %arg6[%dma_start3A_100, %dma_start3A_101, %dma_start3A_102] : memref<8x50x128xf32, #tpu.memory_space<vmem>> -> memref<1x50x128xf32, #tpu.memory_space<vmem>>
    %dma_start3A_104 = tpu.memref_squeeze %dma_start3A_103 : memref<1x50x128xf32, #tpu.memory_space<vmem>> -> memref<50x128xf32, #tpu.memory_space<vmem>>
    %dma_start3A_105 = arith.constant 0 : i32
    %dma_start3A_106 = arith.constant 0 : i32
    %dma_start3A_107 = tpu.memref_slice %arg4[%add3A_99, %dma_start3A_105, %dma_start3A_106] : memref<4096x50x128xf32, #tpu.memory_space<hbm>> -> memref<1x50x128xf32, #tpu.memory_space<hbm>>
    %dma_start3A_108 = tpu.memref_squeeze %dma_start3A_107 : memref<1x50x128xf32, #tpu.memory_space<hbm>> -> memref<50x128xf32, #tpu.memory_space<hbm>>
    %dma_start3A_109 = arith.constant 0 : i32
    %dma_start3A_110 = arith.constant 0 : i32
    %dma_start3A_111 = tpu.memref_slice %arg4[%add3A_99, %dma_start3A_109, %dma_start3A_110] : memref<4096x50x128xf32, #tpu.memory_space<hbm>> -> memref<1x50x128xf32, #tpu.memory_space<hbm>>
    %dma_start3A_112 = tpu.memref_squeeze %dma_start3A_111 : memref<1x50x128xf32, #tpu.memory_space<hbm>> -> memref<50x128xf32, #tpu.memory_space<hbm>>
    %dma_start3A_113 = arith.constant 0 : i32
    %dma_start3A_114 = arith.constant 0 : i32
    %dma_start3A_115 = tpu.memref_slice %arg6[%dma_start3A_100, %dma_start3A_113, %dma_start3A_114] : memref<8x50x128xf32, #tpu.memory_space<vmem>> -> memref<1x50x128xf32, #tpu.memory_space<vmem>>
    %dma_start3A_116 = tpu.memref_squeeze %dma_start3A_115 : memref<1x50x128xf32, #tpu.memory_space<vmem>> -> memref<50x128xf32, #tpu.memory_space<vmem>>
    tpu.enqueue_dma source(%dma_start3A_116 : memref<50x128xf32, #tpu.memory_space<vmem>>) target(%dma_start3A_112 : memref<50x128xf32, #tpu.memory_space<hbm>>) target_semaphore(%arg15 : memref<!tpu.dma_semaphore, #tpu.memory_space<semaphore_mem>>)
    %dma_wait3A_117 = arith.constant 1 : i32
    %dma_wait3A_118 = arith.constant 0 : i32
    %dma_wait3A_119 = arith.constant 0 : i32
    %dma_wait3A_120 = tpu.memref_slice %arg6[%dma_wait3A_117, %dma_wait3A_118, %dma_wait3A_119] : memref<8x50x128xf32, #tpu.memory_space<vmem>> -> memref<1x50x128xf32, #tpu.memory_space<vmem>>
    %dma_wait3A_121 = tpu.memref_squeeze %dma_wait3A_120 : memref<1x50x128xf32, #tpu.memory_space<vmem>> -> memref<50x128xf32, #tpu.memory_space<vmem>>
    %dma_wait3A_122 = arith.constant 6776 : i32
    %dma_wait3A_123 = tpu.memref_slice %arg5[%dma_wait3A_122] : memref<7168xi32, #tpu.memory_space<vmem>> -> memref<50xi32, #tpu.memory_space<vmem>>
    %dma_wait3A_124 = arith.constant 0 : i32
    %dma_wait3A_125 = arith.constant 0 : i32
    %dma_wait3A_126 = tpu.memref_slice %arg3[%dma_wait3A_124, %dma_wait3A_125] : memref<10000x128xf32, #tpu.memory_space<hbm>> -> memref<10000x128xf32, #tpu.memory_space<hbm>>
    tpu.wait_indirect_dma semaphore(%arg8 : memref<!tpu.dma_semaphore, #tpu.memory_space<semaphore_mem>>) src(%dma_wait3A_126 : memref<10000x128xf32, #tpu.memory_space<hbm>>) dst(%dma_wait3A_121 : memref<50x128xf32, #tpu.memory_space<vmem>>)
    %add3A_127 = arith.constant 121 : i32
    %add3A_128 = arith.addi %mul3A_2, %add3A_127 : i32
    %dma_start3A_129 = arith.constant 1 : i32
    %dma_start3A_130 = arith.constant 0 : i32
    %dma_start3A_131 = arith.constant 0 : i32
    %dma_start3A_132 = tpu.memref_slice %arg6[%dma_start3A_129, %dma_start3A_130, %dma_start3A_131] : memref<8x50x128xf32, #tpu.memory_space<vmem>> -> memref<1x50x128xf32, #tpu.memory_space<vmem>>
    %dma_start3A_133 = tpu.memref_squeeze %dma_start3A_132 : memref<1x50x128xf32, #tpu.memory_space<vmem>> -> memref<50x128xf32, #tpu.memory_space<vmem>>
    %dma_start3A_134 = arith.constant 0 : i32
    %dma_start3A_135 = arith.constant 0 : i32
    %dma_start3A_136 = tpu.memref_slice %arg4[%add3A_128, %dma_start3A_134, %dma_start3A_135] : memref<4096x50x128xf32, #tpu.memory_space<hbm>> -> memref<1x50x128xf32, #tpu.memory_space<hbm>>
    %dma_start3A_137 = tpu.memref_squeeze %dma_start3A_136 : memref<1x50x128xf32, #tpu.memory_space<hbm>> -> memref<50x128xf32, #tpu.memory_space<hbm>>
    %dma_start3A_138 = arith.constant 0 : i32
    %dma_start3A_139 = arith.constant 0 : i32
    %dma_start3A_140 = tpu.memref_slice %arg4[%add3A_128, %dma_start3A_138, %dma_start3A_139] : memref<4096x50x128xf32, #tpu.memory_space<hbm>> -> memref<1x50x128xf32, #tpu.memory_space<hbm>>
    %dma_start3A_141 = tpu.memref_squeeze %dma_start3A_140 : memref<1x50x128xf32, #tpu.memory_space<hbm>> -> memref<50x128xf32, #tpu.memory_space<hbm>>
    %dma_start3A_142 = arith.constant 0 : i32
    %dma_start3A_143 = arith.constant 0 : i32
    %dma_start3A_144 = tpu.memref_slice %arg6[%dma_start3A_129, %dma_start3A_142, %dma_start3A_143] : memref<8x50x128xf32, #tpu.memory_space<vmem>> -> memref<1x50x128xf32, #tpu.memory_space<vmem>>
    %dma_start3A_145 = tpu.memref_squeeze %dma_start3A_144 : memref<1x50x128xf32, #tpu.memory_space<vmem>> -> memref<50x128xf32, #tpu.memory_space<vmem>>
    tpu.enqueue_dma source(%dma_start3A_145 : memref<50x128xf32, #tpu.memory_space<vmem>>) target(%dma_start3A_141 : memref<50x128xf32, #tpu.memory_space<hbm>>) target_semaphore(%arg16 : memref<!tpu.dma_semaphore, #tpu.memory_space<semaphore_mem>>)
    %dma_wait3A_146 = arith.constant 2 : i32
    %dma_wait3A_147 = arith.constant 0 : i32
    %dma_wait3A_148 = arith.constant 0 : i32
    %dma_wait3A_149 = tpu.memref_slice %arg6[%dma_wait3A_146, %dma_wait3A_147, %dma_wait3A_148] : memref<8x50x128xf32, #tpu.memory_space<vmem>> -> memref<1x50x128xf32, #tpu.memory_space<vmem>>
    %dma_wait3A_150 = tpu.memref_squeeze %dma_wait3A_149 : memref<1x50x128xf32, #tpu.memory_space<vmem>> -> memref<50x128xf32, #tpu.memory_space<vmem>>
    %dma_wait3A_151 = arith.constant 6832 : i32
    %dma_wait3A_152 = tpu.memref_slice %arg5[%dma_wait3A_151] : memref<7168xi32, #tpu.memory_space<vmem>> -> memref<50xi32, #tpu.memory_space<vmem>>
    %dma_wait3A_153 = arith.constant 0 : i32
    %dma_wait3A_154 = arith.constant 0 : i32
    %dma_wait3A_155 = tpu.memref_slice %arg3[%dma_wait3A_153, %dma_wait3A_154] : memref<10000x128xf32, #tpu.memory_space<hbm>> -> memref<10000x128xf32, #tpu.memory_space<hbm>>
    tpu.wait_indirect_dma semaphore(%arg9 : memref<!tpu.dma_semaphore, #tpu.memory_space<semaphore_mem>>) src(%dma_wait3A_155 : memref<10000x128xf32, #tpu.memory_space<hbm>>) dst(%dma_wait3A_150 : memref<50x128xf32, #tpu.memory_space<vmem>>)
    %add3A_156 = arith.constant 122 : i32
    %add3A_157 = arith.addi %mul3A_2, %add3A_156 : i32
    %dma_start3A_158 = arith.constant 2 : i32
    %dma_start3A_159 = arith.constant 0 : i32
    %dma_start3A_160 = arith.constant 0 : i32
    %dma_start3A_161 = tpu.memref_slice %arg6[%dma_start3A_158, %dma_start3A_159, %dma_start3A_160] : memref<8x50x128xf32, #tpu.memory_space<vmem>> -> memref<1x50x128xf32, #tpu.memory_space<vmem>>
    %dma_start3A_162 = tpu.memref_squeeze %dma_start3A_161 : memref<1x50x128xf32, #tpu.memory_space<vmem>> -> memref<50x128xf32, #tpu.memory_space<vmem>>
    %dma_start3A_163 = arith.constant 0 : i32
    %dma_start3A_164 = arith.constant 0 : i32
    %dma_start3A_165 = tpu.memref_slice %arg4[%add3A_157, %dma_start3A_163, %dma_start3A_164] : memref<4096x50x128xf32, #tpu.memory_space<hbm>> -> memref<1x50x128xf32, #tpu.memory_space<hbm>>
    %dma_start3A_166 = tpu.memref_squeeze %dma_start3A_165 : memref<1x50x128xf32, #tpu.memory_space<hbm>> -> memref<50x128xf32, #tpu.memory_space<hbm>>
    %dma_start3A_167 = arith.constant 0 : i32
    %dma_start3A_168 = arith.constant 0 : i32
    %dma_start3A_169 = tpu.memref_slice %arg4[%add3A_157, %dma_start3A_167, %dma_start3A_168] : memref<4096x50x128xf32, #tpu.memory_space<hbm>> -> memref<1x50x128xf32, #tpu.memory_space<hbm>>
    %dma_start3A_170 = tpu.memref_squeeze %dma_start3A_169 : memref<1x50x128xf32, #tpu.memory_space<hbm>> -> memref<50x128xf32, #tpu.memory_space<hbm>>
    %dma_start3A_171 = arith.constant 0 : i32
    %dma_start3A_172 = arith.constant 0 : i32
    %dma_start3A_173 = tpu.memref_slice %arg6[%dma_start3A_158, %dma_start3A_171, %dma_start3A_172] : memref<8x50x128xf32, #tpu.memory_space<vmem>> -> memref<1x50x128xf32, #tpu.memory_space<vmem>>
    %dma_start3A_174 = tpu.memref_squeeze %dma_start3A_173 : memref<1x50x128xf32, #tpu.memory_space<vmem>> -> memref<50x128xf32, #tpu.memory_space<vmem>>
    tpu.enqueue_dma source(%dma_start3A_174 : memref<50x128xf32, #tpu.memory_space<vmem>>) target(%dma_start3A_170 : memref<50x128xf32, #tpu.memory_space<hbm>>) target_semaphore(%arg17 : memref<!tpu.dma_semaphore, #tpu.memory_space<semaphore_mem>>)
    %dma_wait3A_175 = arith.constant 3 : i32
    %dma_wait3A_176 = arith.constant 0 : i32
    %dma_wait3A_177 = arith.constant 0 : i32
    %dma_wait3A_178 = tpu.memref_slice %arg6[%dma_wait3A_175, %dma_wait3A_176, %dma_wait3A_177] : memref<8x50x128xf32, #tpu.memory_space<vmem>> -> memref<1x50x128xf32, #tpu.memory_space<vmem>>
    %dma_wait3A_179 = tpu.memref_squeeze %dma_wait3A_178 : memref<1x50x128xf32, #tpu.memory_space<vmem>> -> memref<50x128xf32, #tpu.memory_space<vmem>>
    %dma_wait3A_180 = arith.constant 6888 : i32
    %dma_wait3A_181 = tpu.memref_slice %arg5[%dma_wait3A_180] : memref<7168xi32, #tpu.memory_space<vmem>> -> memref<50xi32, #tpu.memory_space<vmem>>
    %dma_wait3A_182 = arith.constant 0 : i32
    %dma_wait3A_183 = arith.constant 0 : i32
    %dma_wait3A_184 = tpu.memref_slice %arg3[%dma_wait3A_182, %dma_wait3A_183] : memref<10000x128xf32, #tpu.memory_space<hbm>> -> memref<10000x128xf32, #tpu.memory_space<hbm>>
    tpu.wait_indirect_dma semaphore(%arg10 : memref<!tpu.dma_semaphore, #tpu.memory_space<semaphore_mem>>) src(%dma_wait3A_184 : memref<10000x128xf32, #tpu.memory_space<hbm>>) dst(%dma_wait3A_179 : memref<50x128xf32, #tpu.memory_space<vmem>>)
    %add3A_185 = arith.constant 123 : i32
    %add3A_186 = arith.addi %mul3A_2, %add3A_185 : i32
    %dma_start3A_187 = arith.constant 3 : i32
    %dma_start3A_188 = arith.constant 0 : i32
    %dma_start3A_189 = arith.constant 0 : i32
    %dma_start3A_190 = tpu.memref_slice %arg6[%dma_start3A_187, %dma_start3A_188, %dma_start3A_189] : memref<8x50x128xf32, #tpu.memory_space<vmem>> -> memref<1x50x128xf32, #tpu.memory_space<vmem>>
    %dma_start3A_191 = tpu.memref_squeeze %dma_start3A_190 : memref<1x50x128xf32, #tpu.memory_space<vmem>> -> memref<50x128xf32, #tpu.memory_space<vmem>>
    %dma_start3A_192 = arith.constant 0 : i32
    %dma_start3A_193 = arith.constant 0 : i32
    %dma_start3A_194 = tpu.memref_slice %arg4[%add3A_186, %dma_start3A_192, %dma_start3A_193] : memref<4096x50x128xf32, #tpu.memory_space<hbm>> -> memref<1x50x128xf32, #tpu.memory_space<hbm>>
    %dma_start3A_195 = tpu.memref_squeeze %dma_start3A_194 : memref<1x50x128xf32, #tpu.memory_space<hbm>> -> memref<50x128xf32, #tpu.memory_space<hbm>>
    %dma_start3A_196 = arith.constant 0 : i32
    %dma_start3A_197 = arith.constant 0 : i32
    %dma_start3A_198 = tpu.memref_slice %arg4[%add3A_186, %dma_start3A_196, %dma_start3A_197] : memref<4096x50x128xf32, #tpu.memory_space<hbm>> -> memref<1x50x128xf32, #tpu.memory_space<hbm>>
    %dma_start3A_199 = tpu.memref_squeeze %dma_start3A_198 : memref<1x50x128xf32, #tpu.memory_space<hbm>> -> memref<50x128xf32, #tpu.memory_space<hbm>>
    %dma_start3A_200 = arith.constant 0 : i32
    %dma_start3A_201 = arith.constant 0 : i32
    %dma_start3A_202 = tpu.memref_slice %arg6[%dma_start3A_187, %dma_start3A_200, %dma_start3A_201] : memref<8x50x128xf32, #tpu.memory_space<vmem>> -> memref<1x50x128xf32, #tpu.memory_space<vmem>>
    %dma_start3A_203 = tpu.memref_squeeze %dma_start3A_202 : memref<1x50x128xf32, #tpu.memory_space<vmem>> -> memref<50x128xf32, #tpu.memory_space<vmem>>
    tpu.enqueue_dma source(%dma_start3A_203 : memref<50x128xf32, #tpu.memory_space<vmem>>) target(%dma_start3A_199 : memref<50x128xf32, #tpu.memory_space<hbm>>) target_semaphore(%arg18 : memref<!tpu.dma_semaphore, #tpu.memory_space<semaphore_mem>>)
    %dma_wait3A_204 = arith.constant 4 : i32
    %dma_wait3A_205 = arith.constant 0 : i32
    %dma_wait3A_206 = arith.constant 0 : i32
    %dma_wait3A_207 = tpu.memref_slice %arg6[%dma_wait3A_204, %dma_wait3A_205, %dma_wait3A_206] : memref<8x50x128xf32, #tpu.memory_space<vmem>> -> memref<1x50x128xf32, #tpu.memory_space<vmem>>
    %dma_wait3A_208 = tpu.memref_squeeze %dma_wait3A_207 : memref<1x50x128xf32, #tpu.memory_space<vmem>> -> memref<50x128xf32, #tpu.memory_space<vmem>>
    %dma_wait3A_209 = arith.constant 6944 : i32
    %dma_wait3A_210 = tpu.memref_slice %arg5[%dma_wait3A_209] : memref<7168xi32, #tpu.memory_space<vmem>> -> memref<50xi32, #tpu.memory_space<vmem>>
    %dma_wait3A_211 = arith.constant 0 : i32
    %dma_wait3A_212 = arith.constant 0 : i32
    %dma_wait3A_213 = tpu.memref_slice %arg3[%dma_wait3A_211, %dma_wait3A_212] : memref<10000x128xf32, #tpu.memory_space<hbm>> -> memref<10000x128xf32, #tpu.memory_space<hbm>>
    tpu.wait_indirect_dma semaphore(%arg11 : memref<!tpu.dma_semaphore, #tpu.memory_space<semaphore_mem>>) src(%dma_wait3A_213 : memref<10000x128xf32, #tpu.memory_space<hbm>>) dst(%dma_wait3A_208 : memref<50x128xf32, #tpu.memory_space<vmem>>)
    %add3A_214 = arith.constant 124 : i32
    %add3A_215 = arith.addi %mul3A_2, %add3A_214 : i32
    %dma_start3A_216 = arith.constant 4 : i32
    %dma_start3A_217 = arith.constant 0 : i32
    %dma_start3A_218 = arith.constant 0 : i32
    %dma_start3A_219 = tpu.memref_slice %arg6[%dma_start3A_216, %dma_start3A_217, %dma_start3A_218] : memref<8x50x128xf32, #tpu.memory_space<vmem>> -> memref<1x50x128xf32, #tpu.memory_space<vmem>>
    %dma_start3A_220 = tpu.memref_squeeze %dma_start3A_219 : memref<1x50x128xf32, #tpu.memory_space<vmem>> -> memref<50x128xf32, #tpu.memory_space<vmem>>
    %dma_start3A_221 = arith.constant 0 : i32
    %dma_start3A_222 = arith.constant 0 : i32
    %dma_start3A_223 = tpu.memref_slice %arg4[%add3A_215, %dma_start3A_221, %dma_start3A_222] : memref<4096x50x128xf32, #tpu.memory_space<hbm>> -> memref<1x50x128xf32, #tpu.memory_space<hbm>>
    %dma_start3A_224 = tpu.memref_squeeze %dma_start3A_223 : memref<1x50x128xf32, #tpu.memory_space<hbm>> -> memref<50x128xf32, #tpu.memory_space<hbm>>
    %dma_start3A_225 = arith.constant 0 : i32
    %dma_start3A_226 = arith.constant 0 : i32
    %dma_start3A_227 = tpu.memref_slice %arg4[%add3A_215, %dma_start3A_225, %dma_start3A_226] : memref<4096x50x128xf32, #tpu.memory_space<hbm>> -> memref<1x50x128xf32, #tpu.memory_space<hbm>>
    %dma_start3A_228 = tpu.memref_squeeze %dma_start3A_227 : memref<1x50x128xf32, #tpu.memory_space<hbm>> -> memref<50x128xf32, #tpu.memory_space<hbm>>
    %dma_start3A_229 = arith.constant 0 : i32
    %dma_start3A_230 = arith.constant 0 : i32
    %dma_start3A_231 = tpu.memref_slice %arg6[%dma_start3A_216, %dma_start3A_229, %dma_start3A_230] : memref<8x50x128xf32, #tpu.memory_space<vmem>> -> memref<1x50x128xf32, #tpu.memory_space<vmem>>
    %dma_start3A_232 = tpu.memref_squeeze %dma_start3A_231 : memref<1x50x128xf32, #tpu.memory_space<vmem>> -> memref<50x128xf32, #tpu.memory_space<vmem>>
    tpu.enqueue_dma source(%dma_start3A_232 : memref<50x128xf32, #tpu.memory_space<vmem>>) target(%dma_start3A_228 : memref<50x128xf32, #tpu.memory_space<hbm>>) target_semaphore(%arg19 : memref<!tpu.dma_semaphore, #tpu.memory_space<semaphore_mem>>)
    %dma_wait3A_233 = arith.constant 5 : i32
    %dma_wait3A_234 = arith.constant 0 : i32
    %dma_wait3A_235 = arith.constant 0 : i32
    %dma_wait3A_236 = tpu.memref_slice %arg6[%dma_wait3A_233, %dma_wait3A_234, %dma_wait3A_235] : memref<8x50x128xf32, #tpu.memory_space<vmem>> -> memref<1x50x128xf32, #tpu.memory_space<vmem>>
    %dma_wait3A_237 = tpu.memref_squeeze %dma_wait3A_236 : memref<1x50x128xf32, #tpu.memory_space<vmem>> -> memref<50x128xf32, #tpu.memory_space<vmem>>
    %dma_wait3A_238 = arith.constant 7000 : i32
    %dma_wait3A_239 = tpu.memref_slice %arg5[%dma_wait3A_238] : memref<7168xi32, #tpu.memory_space<vmem>> -> memref<50xi32, #tpu.memory_space<vmem>>
    %dma_wait3A_240 = arith.constant 0 : i32
    %dma_wait3A_241 = arith.constant 0 : i32
    %dma_wait3A_242 = tpu.memref_slice %arg3[%dma_wait3A_240, %dma_wait3A_241] : memref<10000x128xf32, #tpu.memory_space<hbm>> -> memref<10000x128xf32, #tpu.memory_space<hbm>>
    tpu.wait_indirect_dma semaphore(%arg12 : memref<!tpu.dma_semaphore, #tpu.memory_space<semaphore_mem>>) src(%dma_wait3A_242 : memref<10000x128xf32, #tpu.memory_space<hbm>>) dst(%dma_wait3A_237 : memref<50x128xf32, #tpu.memory_space<vmem>>)
    %add3A_243 = arith.constant 125 : i32
    %add3A_244 = arith.addi %mul3A_2, %add3A_243 : i32
    %dma_start3A_245 = arith.constant 5 : i32
    %dma_start3A_246 = arith.constant 0 : i32
    %dma_start3A_247 = arith.constant 0 : i32
    %dma_start3A_248 = tpu.memref_slice %arg6[%dma_start3A_245, %dma_start3A_246, %dma_start3A_247] : memref<8x50x128xf32, #tpu.memory_space<vmem>> -> memref<1x50x128xf32, #tpu.memory_space<vmem>>
    %dma_start3A_249 = tpu.memref_squeeze %dma_start3A_248 : memref<1x50x128xf32, #tpu.memory_space<vmem>> -> memref<50x128xf32, #tpu.memory_space<vmem>>
    %dma_start3A_250 = arith.constant 0 : i32
    %dma_start3A_251 = arith.constant 0 : i32
    %dma_start3A_252 = tpu.memref_slice %arg4[%add3A_244, %dma_start3A_250, %dma_start3A_251] : memref<4096x50x128xf32, #tpu.memory_space<hbm>> -> memref<1x50x128xf32, #tpu.memory_space<hbm>>
    %dma_start3A_253 = tpu.memref_squeeze %dma_start3A_252 : memref<1x50x128xf32, #tpu.memory_space<hbm>> -> memref<50x128xf32, #tpu.memory_space<hbm>>
    %dma_start3A_254 = arith.constant 0 : i32
    %dma_start3A_255 = arith.constant 0 : i32
    %dma_start3A_256 = tpu.memref_slice %arg4[%add3A_244, %dma_start3A_254, %dma_start3A_255] : memref<4096x50x128xf32, #tpu.memory_space<hbm>> -> memref<1x50x128xf32, #tpu.memory_space<hbm>>
    %dma_start3A_257 = tpu.memref_squeeze %dma_start3A_256 : memref<1x50x128xf32, #tpu.memory_space<hbm>> -> memref<50x128xf32, #tpu.memory_space<hbm>>
    %dma_start3A_258 = arith.constant 0 : i32
    %dma_start3A_259 = arith.constant 0 : i32
    %dma_start3A_260 = tpu.memref_slice %arg6[%dma_start3A_245, %dma_start3A_258, %dma_start3A_259] : memref<8x50x128xf32, #tpu.memory_space<vmem>> -> memref<1x50x128xf32, #tpu.memory_space<vmem>>
    %dma_start3A_261 = tpu.memref_squeeze %dma_start3A_260 : memref<1x50x128xf32, #tpu.memory_space<vmem>> -> memref<50x128xf32, #tpu.memory_space<vmem>>
    tpu.enqueue_dma source(%dma_start3A_261 : memref<50x128xf32, #tpu.memory_space<vmem>>) target(%dma_start3A_257 : memref<50x128xf32, #tpu.memory_space<hbm>>) target_semaphore(%arg20 : memref<!tpu.dma_semaphore, #tpu.memory_space<semaphore_mem>>)
    %dma_wait3A_262 = arith.constant 6 : i32
    %dma_wait3A_263 = arith.constant 0 : i32
    %dma_wait3A_264 = arith.constant 0 : i32
    %dma_wait3A_265 = tpu.memref_slice %arg6[%dma_wait3A_262, %dma_wait3A_263, %dma_wait3A_264] : memref<8x50x128xf32, #tpu.memory_space<vmem>> -> memref<1x50x128xf32, #tpu.memory_space<vmem>>
    %dma_wait3A_266 = tpu.memref_squeeze %dma_wait3A_265 : memref<1x50x128xf32, #tpu.memory_space<vmem>> -> memref<50x128xf32, #tpu.memory_space<vmem>>
    %dma_wait3A_267 = arith.constant 7056 : i32
    %dma_wait3A_268 = tpu.memref_slice %arg5[%dma_wait3A_267] : memref<7168xi32, #tpu.memory_space<vmem>> -> memref<50xi32, #tpu.memory_space<vmem>>
    %dma_wait3A_269 = arith.constant 0 : i32
    %dma_wait3A_270 = arith.constant 0 : i32
    %dma_wait3A_271 = tpu.memref_slice %arg3[%dma_wait3A_269, %dma_wait3A_270] : memref<10000x128xf32, #tpu.memory_space<hbm>> -> memref<10000x128xf32, #tpu.memory_space<hbm>>
    tpu.wait_indirect_dma semaphore(%arg13 : memref<!tpu.dma_semaphore, #tpu.memory_space<semaphore_mem>>) src(%dma_wait3A_271 : memref<10000x128xf32, #tpu.memory_space<hbm>>) dst(%dma_wait3A_266 : memref<50x128xf32, #tpu.memory_space<vmem>>)
    %add3A_272 = arith.constant 126 : i32
    %add3A_273 = arith.addi %mul3A_2, %add3A_272 : i32
    %dma_start3A_274 = arith.constant 6 : i32
    %dma_start3A_275 = arith.constant 0 : i32
    %dma_start3A_276 = arith.constant 0 : i32
    %dma_start3A_277 = tpu.memref_slice %arg6[%dma_start3A_274, %dma_start3A_275, %dma_start3A_276] : memref<8x50x128xf32, #tpu.memory_space<vmem>> -> memref<1x50x128xf32, #tpu.memory_space<vmem>>
    %dma_start3A_278 = tpu.memref_squeeze %dma_start3A_277 : memref<1x50x128xf32, #tpu.memory_space<vmem>> -> memref<50x128xf32, #tpu.memory_space<vmem>>
    %dma_start3A_279 = arith.constant 0 : i32
    %dma_start3A_280 = arith.constant 0 : i32
    %dma_start3A_281 = tpu.memref_slice %arg4[%add3A_273, %dma_start3A_279, %dma_start3A_280] : memref<4096x50x128xf32, #tpu.memory_space<hbm>> -> memref<1x50x128xf32, #tpu.memory_space<hbm>>
    %dma_start3A_282 = tpu.memref_squeeze %dma_start3A_281 : memref<1x50x128xf32, #tpu.memory_space<hbm>> -> memref<50x128xf32, #tpu.memory_space<hbm>>
    %dma_start3A_283 = arith.constant 0 : i32
    %dma_start3A_284 = arith.constant 0 : i32
    %dma_start3A_285 = tpu.memref_slice %arg4[%add3A_273, %dma_start3A_283, %dma_start3A_284] : memref<4096x50x128xf32, #tpu.memory_space<hbm>> -> memref<1x50x128xf32, #tpu.memory_space<hbm>>
    %dma_start3A_286 = tpu.memref_squeeze %dma_start3A_285 : memref<1x50x128xf32, #tpu.memory_space<hbm>> -> memref<50x128xf32, #tpu.memory_space<hbm>>
    %dma_start3A_287 = arith.constant 0 : i32
    %dma_start3A_288 = arith.constant 0 : i32
    %dma_start3A_289 = tpu.memref_slice %arg6[%dma_start3A_274, %dma_start3A_287, %dma_start3A_288] : memref<8x50x128xf32, #tpu.memory_space<vmem>> -> memref<1x50x128xf32, #tpu.memory_space<vmem>>
    %dma_start3A_290 = tpu.memref_squeeze %dma_start3A_289 : memref<1x50x128xf32, #tpu.memory_space<vmem>> -> memref<50x128xf32, #tpu.memory_space<vmem>>
    tpu.enqueue_dma source(%dma_start3A_290 : memref<50x128xf32, #tpu.memory_space<vmem>>) target(%dma_start3A_286 : memref<50x128xf32, #tpu.memory_space<hbm>>) target_semaphore(%arg21 : memref<!tpu.dma_semaphore, #tpu.memory_space<semaphore_mem>>)
    %dma_wait3A_291 = arith.constant 7 : i32
    %dma_wait3A_292 = arith.constant 0 : i32
    %dma_wait3A_293 = arith.constant 0 : i32
    %dma_wait3A_294 = tpu.memref_slice %arg6[%dma_wait3A_291, %dma_wait3A_292, %dma_wait3A_293] : memref<8x50x128xf32, #tpu.memory_space<vmem>> -> memref<1x50x128xf32, #tpu.memory_space<vmem>>
    %dma_wait3A_295 = tpu.memref_squeeze %dma_wait3A_294 : memref<1x50x128xf32, #tpu.memory_space<vmem>> -> memref<50x128xf32, #tpu.memory_space<vmem>>
    %dma_wait3A_296 = arith.constant 7112 : i32
    %dma_wait3A_297 = tpu.memref_slice %arg5[%dma_wait3A_296] : memref<7168xi32, #tpu.memory_space<vmem>> -> memref<50xi32, #tpu.memory_space<vmem>>
    %dma_wait3A_298 = arith.constant 0 : i32
    %dma_wait3A_299 = arith.constant 0 : i32
    %dma_wait3A_300 = tpu.memref_slice %arg3[%dma_wait3A_298, %dma_wait3A_299] : memref<10000x128xf32, #tpu.memory_space<hbm>> -> memref<10000x128xf32, #tpu.memory_space<hbm>>
    tpu.wait_indirect_dma semaphore(%arg14 : memref<!tpu.dma_semaphore, #tpu.memory_space<semaphore_mem>>) src(%dma_wait3A_300 : memref<10000x128xf32, #tpu.memory_space<hbm>>) dst(%dma_wait3A_295 : memref<50x128xf32, #tpu.memory_space<vmem>>)
    %add3A_301 = arith.constant 127 : i32
    %add3A_302 = arith.addi %mul3A_2, %add3A_301 : i32
    %dma_start3A_303 = arith.constant 7 : i32
    %dma_start3A_304 = arith.constant 0 : i32
    %dma_start3A_305 = arith.constant 0 : i32
    %dma_start3A_306 = tpu.memref_slice %arg6[%dma_start3A_303, %dma_start3A_304, %dma_start3A_305] : memref<8x50x128xf32, #tpu.memory_space<vmem>> -> memref<1x50x128xf32, #tpu.memory_space<vmem>>
    %dma_start3A_307 = tpu.memref_squeeze %dma_start3A_306 : memref<1x50x128xf32, #tpu.memory_space<vmem>> -> memref<50x128xf32, #tpu.memory_space<vmem>>
    %dma_start3A_308 = arith.constant 0 : i32
    %dma_start3A_309 = arith.constant 0 : i32
    %dma_start3A_310 = tpu.memref_slice %arg4[%add3A_302, %dma_start3A_308, %dma_start3A_309] : memref<4096x50x128xf32, #tpu.memory_space<hbm>> -> memref<1x50x128xf32, #tpu.memory_space<hbm>>
    %dma_start3A_311 = tpu.memref_squeeze %dma_start3A_310 : memref<1x50x128xf32, #tpu.memory_space<hbm>> -> memref<50x128xf32, #tpu.memory_space<hbm>>
    %dma_start3A_312 = arith.constant 0 : i32
    %dma_start3A_313 = arith.constant 0 : i32
    %dma_start3A_314 = tpu.memref_slice %arg4[%add3A_302, %dma_start3A_312, %dma_start3A_313] : memref<4096x50x128xf32, #tpu.memory_space<hbm>> -> memref<1x50x128xf32, #tpu.memory_space<hbm>>
    %dma_start3A_315 = tpu.memref_squeeze %dma_start3A_314 : memref<1x50x128xf32, #tpu.memory_space<hbm>> -> memref<50x128xf32, #tpu.memory_space<hbm>>
    %dma_start3A_316 = arith.constant 0 : i32
    %dma_start3A_317 = arith.constant 0 : i32
    %dma_start3A_318 = tpu.memref_slice %arg6[%dma_start3A_303, %dma_start3A_316, %dma_start3A_317] : memref<8x50x128xf32, #tpu.memory_space<vmem>> -> memref<1x50x128xf32, #tpu.memory_space<vmem>>
    %dma_start3A_319 = tpu.memref_squeeze %dma_start3A_318 : memref<1x50x128xf32, #tpu.memory_space<vmem>> -> memref<50x128xf32, #tpu.memory_space<vmem>>
    tpu.enqueue_dma source(%dma_start3A_319 : memref<50x128xf32, #tpu.memory_space<vmem>>) target(%dma_start3A_315 : memref<50x128xf32, #tpu.memory_space<hbm>>) target_semaphore(%arg22 : memref<!tpu.dma_semaphore, #tpu.memory_space<semaphore_mem>>)
    %add3A_320 = arith.constant 120 : i32
    %add3A_321 = arith.addi %mul3A_2, %add3A_320 : i32
    %dma_wait3A_322 = arith.constant 0 : i32
    %dma_wait3A_323 = arith.constant 0 : i32
    %dma_wait3A_324 = arith.constant 0 : i32
    %dma_wait3A_325 = tpu.memref_slice %arg6[%dma_wait3A_322, %dma_wait3A_323, %dma_wait3A_324] : memref<8x50x128xf32, #tpu.memory_space<vmem>> -> memref<1x50x128xf32, #tpu.memory_space<vmem>>
    %dma_wait3A_326 = tpu.memref_squeeze %dma_wait3A_325 : memref<1x50x128xf32, #tpu.memory_space<vmem>> -> memref<50x128xf32, #tpu.memory_space<vmem>>
    %dma_wait3A_327 = arith.constant 0 : i32
    %dma_wait3A_328 = arith.constant 0 : i32
    %dma_wait3A_329 = tpu.memref_slice %arg4[%add3A_321, %dma_wait3A_327, %dma_wait3A_328] : memref<4096x50x128xf32, #tpu.memory_space<hbm>> -> memref<1x50x128xf32, #tpu.memory_space<hbm>>
    %dma_wait3A_330 = tpu.memref_squeeze %dma_wait3A_329 : memref<1x50x128xf32, #tpu.memory_space<hbm>> -> memref<50x128xf32, #tpu.memory_space<hbm>>
    %dma_wait3A_331 = arith.constant 0 : i32
    %dma_wait3A_332 = arith.constant 0 : i32
    %dma_wait3A_333 = tpu.memref_slice %arg4[%add3A_321, %dma_wait3A_331, %dma_wait3A_332] : memref<4096x50x128xf32, #tpu.memory_space<hbm>> -> memref<1x50x128xf32, #tpu.memory_space<hbm>>
    %dma_wait3A_334 = tpu.memref_squeeze %dma_wait3A_333 : memref<1x50x128xf32, #tpu.memory_space<hbm>> -> memref<50x128xf32, #tpu.memory_space<hbm>>
    %dma_wait3A_335 = arith.constant 0 : i32
    %dma_wait3A_336 = arith.constant 0 : i32
    %dma_wait3A_337 = tpu.memref_slice %arg6[%dma_wait3A_322, %dma_wait3A_335, %dma_wait3A_336] : memref<8x50x128xf32, #tpu.memory_space<vmem>> -> memref<1x50x128xf32, #tpu.memory_space<vmem>>
    %dma_wait3A_338 = tpu.memref_squeeze %dma_wait3A_337 : memref<1x50x128xf32, #tpu.memory_space<vmem>> -> memref<50x128xf32, #tpu.memory_space<vmem>>
    tpu.wait_dma2 semaphore(%arg15 : memref<!tpu.dma_semaphore, #tpu.memory_space<semaphore_mem>>) src(%dma_wait3A_338 : memref<50x128xf32, #tpu.memory_space<vmem>>) dst(%dma_wait3A_334 : memref<50x128xf32, #tpu.memory_space<hbm>>)
    %add3A_339 = arith.constant 121 : i32
    %add3A_340 = arith.addi %mul3A_2, %add3A_339 : i32
    %dma_wait3A_341 = arith.constant 1 : i32
    %dma_wait3A_342 = arith.constant 0 : i32
    %dma_wait3A_343 = arith.constant 0 : i32
    %dma_wait3A_344 = tpu.memref_slice %arg6[%dma_wait3A_341, %dma_wait3A_342, %dma_wait3A_343] : memref<8x50x128xf32, #tpu.memory_space<vmem>> -> memref<1x50x128xf32, #tpu.memory_space<vmem>>
    %dma_wait3A_345 = tpu.memref_squeeze %dma_wait3A_344 : memref<1x50x128xf32, #tpu.memory_space<vmem>> -> memref<50x128xf32, #tpu.memory_space<vmem>>
    %dma_wait3A_346 = arith.constant 0 : i32
    %dma_wait3A_347 = arith.constant 0 : i32
    %dma_wait3A_348 = tpu.memref_slice %arg4[%add3A_340, %dma_wait3A_346, %dma_wait3A_347] : memref<4096x50x128xf32, #tpu.memory_space<hbm>> -> memref<1x50x128xf32, #tpu.memory_space<hbm>>
    %dma_wait3A_349 = tpu.memref_squeeze %dma_wait3A_348 : memref<1x50x128xf32, #tpu.memory_space<hbm>> -> memref<50x128xf32, #tpu.memory_space<hbm>>
    %dma_wait3A_350 = arith.constant 0 : i32
    %dma_wait3A_351 = arith.constant 0 : i32
    %dma_wait3A_352 = tpu.memref_slice %arg4[%add3A_340, %dma_wait3A_350, %dma_wait3A_351] : memref<4096x50x128xf32, #tpu.memory_space<hbm>> -> memref<1x50x128xf32, #tpu.memory_space<hbm>>
    %dma_wait3A_353 = tpu.memref_squeeze %dma_wait3A_352 : memref<1x50x128xf32, #tpu.memory_space<hbm>> -> memref<50x128xf32, #tpu.memory_space<hbm>>
    %dma_wait3A_354 = arith.constant 0 : i32
    %dma_wait3A_355 = arith.constant 0 : i32
    %dma_wait3A_356 = tpu.memref_slice %arg6[%dma_wait3A_341, %dma_wait3A_354, %dma_wait3A_355] : memref<8x50x128xf32, #tpu.memory_space<vmem>> -> memref<1x50x128xf32, #tpu.memory_space<vmem>>
    %dma_wait3A_357 = tpu.memref_squeeze %dma_wait3A_356 : memref<1x50x128xf32, #tpu.memory_space<vmem>> -> memref<50x128xf32, #tpu.memory_space<vmem>>
    tpu.wait_dma2 semaphore(%arg16 : memref<!tpu.dma_semaphore, #tpu.memory_space<semaphore_mem>>) src(%dma_wait3A_357 : memref<50x128xf32, #tpu.memory_space<vmem>>) dst(%dma_wait3A_353 : memref<50x128xf32, #tpu.memory_space<hbm>>)
    %add3A_358 = arith.constant 122 : i32
    %add3A_359 = arith.addi %mul3A_2, %add3A_358 : i32
    %dma_wait3A_360 = arith.constant 2 : i32
    %dma_wait3A_361 = arith.constant 0 : i32
    %dma_wait3A_362 = arith.constant 0 : i32
    %dma_wait3A_363 = tpu.memref_slice %arg6[%dma_wait3A_360, %dma_wait3A_361, %dma_wait3A_362] : memref<8x50x128xf32, #tpu.memory_space<vmem>> -> memref<1x50x128xf32, #tpu.memory_space<vmem>>
    %dma_wait3A_364 = tpu.memref_squeeze %dma_wait3A_363 : memref<1x50x128xf32, #tpu.memory_space<vmem>> -> memref<50x128xf32, #tpu.memory_space<vmem>>
    %dma_wait3A_365 = arith.constant 0 : i32
    %dma_wait3A_366 = arith.constant 0 : i32
    %dma_wait3A_367 = tpu.memref_slice %arg4[%add3A_359, %dma_wait3A_365, %dma_wait3A_366] : memref<4096x50x128xf32, #tpu.memory_space<hbm>> -> memref<1x50x128xf32, #tpu.memory_space<hbm>>
    %dma_wait3A_368 = tpu.memref_squeeze %dma_wait3A_367 : memref<1x50x128xf32, #tpu.memory_space<hbm>> -> memref<50x128xf32, #tpu.memory_space<hbm>>
    %dma_wait3A_369 = arith.constant 0 : i32
    %dma_wait3A_370 = arith.constant 0 : i32
    %dma_wait3A_371 = tpu.memref_slice %arg4[%add3A_359, %dma_wait3A_369, %dma_wait3A_370] : memref<4096x50x128xf32, #tpu.memory_space<hbm>> -> memref<1x50x128xf32, #tpu.memory_space<hbm>>
    %dma_wait3A_372 = tpu.memref_squeeze %dma_wait3A_371 : memref<1x50x128xf32, #tpu.memory_space<hbm>> -> memref<50x128xf32, #tpu.memory_space<hbm>>
    %dma_wait3A_373 = arith.constant 0 : i32
    %dma_wait3A_374 = arith.constant 0 : i32
    %dma_wait3A_375 = tpu.memref_slice %arg6[%dma_wait3A_360, %dma_wait3A_373, %dma_wait3A_374] : memref<8x50x128xf32, #tpu.memory_space<vmem>> -> memref<1x50x128xf32, #tpu.memory_space<vmem>>
    %dma_wait3A_376 = tpu.memref_squeeze %dma_wait3A_375 : memref<1x50x128xf32, #tpu.memory_space<vmem>> -> memref<50x128xf32, #tpu.memory_space<vmem>>
    tpu.wait_dma2 semaphore(%arg17 : memref<!tpu.dma_semaphore, #tpu.memory_space<semaphore_mem>>) src(%dma_wait3A_376 : memref<50x128xf32, #tpu.memory_space<vmem>>) dst(%dma_wait3A_372 : memref<50x128xf32, #tpu.memory_space<hbm>>)
    %add3A_377 = arith.constant 123 : i32
    %add3A_378 = arith.addi %mul3A_2, %add3A_377 : i32
    %dma_wait3A_379 = arith.constant 3 : i32
    %dma_wait3A_380 = arith.constant 0 : i32
    %dma_wait3A_381 = arith.constant 0 : i32
    %dma_wait3A_382 = tpu.memref_slice %arg6[%dma_wait3A_379, %dma_wait3A_380, %dma_wait3A_381] : memref<8x50x128xf32, #tpu.memory_space<vmem>> -> memref<1x50x128xf32, #tpu.memory_space<vmem>>
    %dma_wait3A_383 = tpu.memref_squeeze %dma_wait3A_382 : memref<1x50x128xf32, #tpu.memory_space<vmem>> -> memref<50x128xf32, #tpu.memory_space<vmem>>
    %dma_wait3A_384 = arith.constant 0 : i32
    %dma_wait3A_385 = arith.constant 0 : i32
    %dma_wait3A_386 = tpu.memref_slice %arg4[%add3A_378, %dma_wait3A_384, %dma_wait3A_385] : memref<4096x50x128xf32, #tpu.memory_space<hbm>> -> memref<1x50x128xf32, #tpu.memory_space<hbm>>
    %dma_wait3A_387 = tpu.memref_squeeze %dma_wait3A_386 : memref<1x50x128xf32, #tpu.memory_space<hbm>> -> memref<50x128xf32, #tpu.memory_space<hbm>>
    %dma_wait3A_388 = arith.constant 0 : i32
    %dma_wait3A_389 = arith.constant 0 : i32
    %dma_wait3A_390 = tpu.memref_slice %arg4[%add3A_378, %dma_wait3A_388, %dma_wait3A_389] : memref<4096x50x128xf32, #tpu.memory_space<hbm>> -> memref<1x50x128xf32, #tpu.memory_space<hbm>>
    %dma_wait3A_391 = tpu.memref_squeeze %dma_wait3A_390 : memref<1x50x128xf32, #tpu.memory_space<hbm>> -> memref<50x128xf32, #tpu.memory_space<hbm>>
    %dma_wait3A_392 = arith.constant 0 : i32
    %dma_wait3A_393 = arith.constant 0 : i32
    %dma_wait3A_394 = tpu.memref_slice %arg6[%dma_wait3A_379, %dma_wait3A_392, %dma_wait3A_393] : memref<8x50x128xf32, #tpu.memory_space<vmem>> -> memref<1x50x128xf32, #tpu.memory_space<vmem>>
    %dma_wait3A_395 = tpu.memref_squeeze %dma_wait3A_394 : memref<1x50x128xf32, #tpu.memory_space<vmem>> -> memref<50x128xf32, #tpu.memory_space<vmem>>
    tpu.wait_dma2 semaphore(%arg18 : memref<!tpu.dma_semaphore, #tpu.memory_space<semaphore_mem>>) src(%dma_wait3A_395 : memref<50x128xf32, #tpu.memory_space<vmem>>) dst(%dma_wait3A_391 : memref<50x128xf32, #tpu.memory_space<hbm>>)
    %add3A_396 = arith.constant 124 : i32
    %add3A_397 = arith.addi %mul3A_2, %add3A_396 : i32
    %dma_wait3A_398 = arith.constant 4 : i32
    %dma_wait3A_399 = arith.constant 0 : i32
    %dma_wait3A_400 = arith.constant 0 : i32
    %dma_wait3A_401 = tpu.memref_slice %arg6[%dma_wait3A_398, %dma_wait3A_399, %dma_wait3A_400] : memref<8x50x128xf32, #tpu.memory_space<vmem>> -> memref<1x50x128xf32, #tpu.memory_space<vmem>>
    %dma_wait3A_402 = tpu.memref_squeeze %dma_wait3A_401 : memref<1x50x128xf32, #tpu.memory_space<vmem>> -> memref<50x128xf32, #tpu.memory_space<vmem>>
    %dma_wait3A_403 = arith.constant 0 : i32
    %dma_wait3A_404 = arith.constant 0 : i32
    %dma_wait3A_405 = tpu.memref_slice %arg4[%add3A_397, %dma_wait3A_403, %dma_wait3A_404] : memref<4096x50x128xf32, #tpu.memory_space<hbm>> -> memref<1x50x128xf32, #tpu.memory_space<hbm>>
    %dma_wait3A_406 = tpu.memref_squeeze %dma_wait3A_405 : memref<1x50x128xf32, #tpu.memory_space<hbm>> -> memref<50x128xf32, #tpu.memory_space<hbm>>
    %dma_wait3A_407 = arith.constant 0 : i32
    %dma_wait3A_408 = arith.constant 0 : i32
    %dma_wait3A_409 = tpu.memref_slice %arg4[%add3A_397, %dma_wait3A_407, %dma_wait3A_408] : memref<4096x50x128xf32, #tpu.memory_space<hbm>> -> memref<1x50x128xf32, #tpu.memory_space<hbm>>
    %dma_wait3A_410 = tpu.memref_squeeze %dma_wait3A_409 : memref<1x50x128xf32, #tpu.memory_space<hbm>> -> memref<50x128xf32, #tpu.memory_space<hbm>>
    %dma_wait3A_411 = arith.constant 0 : i32
    %dma_wait3A_412 = arith.constant 0 : i32
    %dma_wait3A_413 = tpu.memref_slice %arg6[%dma_wait3A_398, %dma_wait3A_411, %dma_wait3A_412] : memref<8x50x128xf32, #tpu.memory_space<vmem>> -> memref<1x50x128xf32, #tpu.memory_space<vmem>>
    %dma_wait3A_414 = tpu.memref_squeeze %dma_wait3A_413 : memref<1x50x128xf32, #tpu.memory_space<vmem>> -> memref<50x128xf32, #tpu.memory_space<vmem>>
    tpu.wait_dma2 semaphore(%arg19 : memref<!tpu.dma_semaphore, #tpu.memory_space<semaphore_mem>>) src(%dma_wait3A_414 : memref<50x128xf32, #tpu.memory_space<vmem>>) dst(%dma_wait3A_410 : memref<50x128xf32, #tpu.memory_space<hbm>>)
    %add3A_415 = arith.constant 125 : i32
    %add3A_416 = arith.addi %mul3A_2, %add3A_415 : i32
    %dma_wait3A_417 = arith.constant 5 : i32
    %dma_wait3A_418 = arith.constant 0 : i32
    %dma_wait3A_419 = arith.constant 0 : i32
    %dma_wait3A_420 = tpu.memref_slice %arg6[%dma_wait3A_417, %dma_wait3A_418, %dma_wait3A_419] : memref<8x50x128xf32, #tpu.memory_space<vmem>> -> memref<1x50x128xf32, #tpu.memory_space<vmem>>
    %dma_wait3A_421 = tpu.memref_squeeze %dma_wait3A_420 : memref<1x50x128xf32, #tpu.memory_space<vmem>> -> memref<50x128xf32, #tpu.memory_space<vmem>>
    %dma_wait3A_422 = arith.constant 0 : i32
    %dma_wait3A_423 = arith.constant 0 : i32
    %dma_wait3A_424 = tpu.memref_slice %arg4[%add3A_416, %dma_wait3A_422, %dma_wait3A_423] : memref<4096x50x128xf32, #tpu.memory_space<hbm>> -> memref<1x50x128xf32, #tpu.memory_space<hbm>>
    %dma_wait3A_425 = tpu.memref_squeeze %dma_wait3A_424 : memref<1x50x128xf32, #tpu.memory_space<hbm>> -> memref<50x128xf32, #tpu.memory_space<hbm>>
    %dma_wait3A_426 = arith.constant 0 : i32
    %dma_wait3A_427 = arith.constant 0 : i32
    %dma_wait3A_428 = tpu.memref_slice %arg4[%add3A_416, %dma_wait3A_426, %dma_wait3A_427] : memref<4096x50x128xf32, #tpu.memory_space<hbm>> -> memref<1x50x128xf32, #tpu.memory_space<hbm>>
    %dma_wait3A_429 = tpu.memref_squeeze %dma_wait3A_428 : memref<1x50x128xf32, #tpu.memory_space<hbm>> -> memref<50x128xf32, #tpu.memory_space<hbm>>
    %dma_wait3A_430 = arith.constant 0 : i32
    %dma_wait3A_431 = arith.constant 0 : i32
    %dma_wait3A_432 = tpu.memref_slice %arg6[%dma_wait3A_417, %dma_wait3A_430, %dma_wait3A_431] : memref<8x50x128xf32, #tpu.memory_space<vmem>> -> memref<1x50x128xf32, #tpu.memory_space<vmem>>
    %dma_wait3A_433 = tpu.memref_squeeze %dma_wait3A_432 : memref<1x50x128xf32, #tpu.memory_space<vmem>> -> memref<50x128xf32, #tpu.memory_space<vmem>>
    tpu.wait_dma2 semaphore(%arg20 : memref<!tpu.dma_semaphore, #tpu.memory_space<semaphore_mem>>) src(%dma_wait3A_433 : memref<50x128xf32, #tpu.memory_space<vmem>>) dst(%dma_wait3A_429 : memref<50x128xf32, #tpu.memory_space<hbm>>)
    %add3A_434 = arith.constant 126 : i32
    %add3A_435 = arith.addi %mul3A_2, %add3A_434 : i32
    %dma_wait3A_436 = arith.constant 6 : i32
    %dma_wait3A_437 = arith.constant 0 : i32
    %dma_wait3A_438 = arith.constant 0 : i32
    %dma_wait3A_439 = tpu.memref_slice %arg6[%dma_wait3A_436, %dma_wait3A_437, %dma_wait3A_438] : memref<8x50x128xf32, #tpu.memory_space<vmem>> -> memref<1x50x128xf32, #tpu.memory_space<vmem>>
    %dma_wait3A_440 = tpu.memref_squeeze %dma_wait3A_439 : memref<1x50x128xf32, #tpu.memory_space<vmem>> -> memref<50x128xf32, #tpu.memory_space<vmem>>
    %dma_wait3A_441 = arith.constant 0 : i32
    %dma_wait3A_442 = arith.constant 0 : i32
    %dma_wait3A_443 = tpu.memref_slice %arg4[%add3A_435, %dma_wait3A_441, %dma_wait3A_442] : memref<4096x50x128xf32, #tpu.memory_space<hbm>> -> memref<1x50x128xf32, #tpu.memory_space<hbm>>
    %dma_wait3A_444 = tpu.memref_squeeze %dma_wait3A_443 : memref<1x50x128xf32, #tpu.memory_space<hbm>> -> memref<50x128xf32, #tpu.memory_space<hbm>>
    %dma_wait3A_445 = arith.constant 0 : i32
    %dma_wait3A_446 = arith.constant 0 : i32
    %dma_wait3A_447 = tpu.memref_slice %arg4[%add3A_435, %dma_wait3A_445, %dma_wait3A_446] : memref<4096x50x128xf32, #tpu.memory_space<hbm>> -> memref<1x50x128xf32, #tpu.memory_space<hbm>>
    %dma_wait3A_448 = tpu.memref_squeeze %dma_wait3A_447 : memref<1x50x128xf32, #tpu.memory_space<hbm>> -> memref<50x128xf32, #tpu.memory_space<hbm>>
    %dma_wait3A_449 = arith.constant 0 : i32
    %dma_wait3A_450 = arith.constant 0 : i32
    %dma_wait3A_451 = tpu.memref_slice %arg6[%dma_wait3A_436, %dma_wait3A_449, %dma_wait3A_450] : memref<8x50x128xf32, #tpu.memory_space<vmem>> -> memref<1x50x128xf32, #tpu.memory_space<vmem>>
    %dma_wait3A_452 = tpu.memref_squeeze %dma_wait3A_451 : memref<1x50x128xf32, #tpu.memory_space<vmem>> -> memref<50x128xf32, #tpu.memory_space<vmem>>
    tpu.wait_dma2 semaphore(%arg21 : memref<!tpu.dma_semaphore, #tpu.memory_space<semaphore_mem>>) src(%dma_wait3A_452 : memref<50x128xf32, #tpu.memory_space<vmem>>) dst(%dma_wait3A_448 : memref<50x128xf32, #tpu.memory_space<hbm>>)
    %add3A_453 = arith.constant 127 : i32
    %add3A_454 = arith.addi %mul3A_2, %add3A_453 : i32
    %dma_wait3A_455 = arith.constant 7 : i32
    %dma_wait3A_456 = arith.constant 0 : i32
    %dma_wait3A_457 = arith.constant 0 : i32
    %dma_wait3A_458 = tpu.memref_slice %arg6[%dma_wait3A_455, %dma_wait3A_456, %dma_wait3A_457] : memref<8x50x128xf32, #tpu.memory_space<vmem>> -> memref<1x50x128xf32, #tpu.memory_space<vmem>>
    %dma_wait3A_459 = tpu.memref_squeeze %dma_wait3A_458 : memref<1x50x128xf32, #tpu.memory_space<vmem>> -> memref<50x128xf32, #tpu.memory_space<vmem>>
    %dma_wait3A_460 = arith.constant 0 : i32
    %dma_wait3A_461 = arith.constant 0 : i32
    %dma_wait3A_462 = tpu.memref_slice %arg4[%add3A_454, %dma_wait3A_460, %dma_wait3A_461] : memref<4096x50x128xf32, #tpu.memory_space<hbm>> -> memref<1x50x128xf32, #tpu.memory_space<hbm>>
    %dma_wait3A_463 = tpu.memref_squeeze %dma_wait3A_462 : memref<1x50x128xf32, #tpu.memory_space<hbm>> -> memref<50x128xf32, #tpu.memory_space<hbm>>
    %dma_wait3A_464 = arith.constant 0 : i32
    %dma_wait3A_465 = arith.constant 0 : i32
    %dma_wait3A_466 = tpu.memref_slice %arg4[%add3A_454, %dma_wait3A_464, %dma_wait3A_465] : memref<4096x50x128xf32, #tpu.memory_space<hbm>> -> memref<1x50x128xf32, #tpu.memory_space<hbm>>
    %dma_wait3A_467 = tpu.memref_squeeze %dma_wait3A_466 : memref<1x50x128xf32, #tpu.memory_space<hbm>> -> memref<50x128xf32, #tpu.memory_space<hbm>>
    %dma_wait3A_468 = arith.constant 0 : i32
    %dma_wait3A_469 = arith.constant 0 : i32
    %dma_wait3A_470 = tpu.memref_slice %arg6[%dma_wait3A_455, %dma_wait3A_468, %dma_wait3A_469] : memref<8x50x128xf32, #tpu.memory_space<vmem>> -> memref<1x50x128xf32, #tpu.memory_space<vmem>>
    %dma_wait3A_471 = tpu.memref_squeeze %dma_wait3A_470 : memref<1x50x128xf32, #tpu.memory_space<vmem>> -> memref<50x128xf32, #tpu.memory_space<vmem>>
    tpu.wait_dma2 semaphore(%arg22 : memref<!tpu.dma_semaphore, #tpu.memory_space<semaphore_mem>>) src(%dma_wait3A_471 : memref<50x128xf32, #tpu.memory_space<vmem>>) dst(%dma_wait3A_467 : memref<50x128xf32, #tpu.memory_space<hbm>>)
    return
  }
}

</mosaic_0001>

<sc_bundles>
// kernel: _sc_gather.3.cloned.1.call-start
scs
__scs_entry_jumppad:
0x0: {  	(pc) =	sbr.rel $0x88, $3  }
0x1: {  	(tag) =	ssettag $0x0;
	lr =	simm.s32 $0x1  }
0x2: {  	[smem:$0x3F9F] =	sst lr;
	_ =	strace $0xD0000000  }
0x3: {  	_ = 	snop  }
0x4: {  	_ = 	snop  }
0x5: {  	_ = 	snop  }
0x6: {  	_ = 	snop  }
0x7: {  	_ = 	snop  }
__scs_overlays_trampoline_lowered:
0x8: {  	[smem:$0x3FAE] =	sst s0  }
0x9: {  	[smem:$0x3FAF] =	sst s1  }
0xa: {  	[smem:$0x3FB0] =	sst s2  }
0xb: {  	[smem:$0x3FB1] =	sst s3  }
0xc: {  	[smem:$0x3FB2] =	sst s4  }
0xd: {  	[smem:$0x3FB3] =	sst s5  }
0xe: {  	[smem:$0x3FB4] =	sst s6  }
0xf: {  	[smem:$0x3FB5] =	sst s7  }
0x10: {  	[smem:$0x3FB6] =	sst s8  }
0x11: {  	[smem:$0x3FB7] =	sst s9;
	s0 =	simm.s32 @!p0 $0x0  }
0x12: {  	s1 =	sld [smem:$0x3F9D];
	s0 =	simm.s32 @p0 $0x1  }
0x13: {  	[smem:$0x3FB8] =	sst s0;
	s0 =	simm.s32 @!p1 $0x0  }
0x14: {  	s2 =	sld [smem:$0x3F9C];
	s0 =	simm.s32 @p1 $0x1  }
0x15: {  	[smem:$0x3FB9] =	sst s0;
	s0 =	simm.s32 @!p2 $0x0  }
0x16: {  	s3 =	sld [smem:$0x3FDB];
	s0 =	simm.s32 @p2 $0x1  }
0x17: {  	s4 =	simm.s32 $0x1BF5;
	[smem:$0x3FBB] =	sst s0  }
0x18: {  	s0 =	sld [smem:$0x3F9E];
	_ =	swait.ge [sflag:s4], $0x0  }
0x19: {  	s7 =	sld [smem:$0x3F9F]  }
0x1a: {  	s8 =	sadd.s32 $0xFFFFE003, lr  }
0x1b: {  	s9 =	sadd.s32 $0xFFFFFEF7, lr;
	s5 =	simm.s32 $0xFFFFFFFF;
	p2 =	slt.u32 s8, $0xFFFFF086  }
0x1c: {  	p1 =	slt.u32 s9, $0xF7A;
	s5 =	simm.s32 @!p2 $0x0  }
0x1d: {  	s5 =	simm.s32 @p1 $0x1;
	p0 =	seq.s32 s7, s2  }
0x1e: {  	s7 =	smul.u32 @!p0 $0xF7A, s2;
	p2 =	seq.s32 @!p0 s5, $0x0  }
0x1f: {  	s9 =	smul.u32 $0xF7A, s1;
	s8 =	simm.s32 @!p0 $0x1BF5;
	p2 =	por !p2, p0  }
0x20: {  	[sflag:s8] =	ssyncset.s32 @!p0 $0xFFFFF086;
	s6 =	sadd.s32 @!p0 s3, s7;
	s7 =	simm.s32 @!p0 $0x108  }
0x21: {  	s3 =	sadd.s32 s3, s9;
	s6 =	sadd.s32 @!p0 $0x88, s6;
	s7 =	simm.s32 @p2 $0x1082  }
0x22: {  	[simem:s7], [sflag:s8] =	dma.local @!p0 [hbm:s6], $0xF7A  }
0x23: {  	s9 =	sor.u32 $0xD0000000, s2;
	s6 =	simm.s32 $0x108;
	_ =	swait.ge @!p0 [sflag:s8], $0x0  }
0x24: {  	s3 =	sadd.s32 $0x88, s3;
	s6 =	simm.s32 @!p1 $0x1082;
	[sflag:s4] =	ssyncset.s32 $0xFFFFF086  }
0x25: {  	[simem:s6], [sflag:s4] =	dma.local [hbm:s3], $0xF7A  }
0x26: {  	[smem:$0x3F9F] =	sst s1;
	(tag) =	ssettag s2;
	_ =	strace s9  }
0x27: {  	s1 =	sld [smem:$0x3FAF]  }
0x28: {  	s2 =	sld [smem:$0x3FB0]  }
0x29: {  	s4 =	sld [smem:$0x3FB2]  }
0x2a: {  	p0 =	seq.s32 s5, $0x0;
	s5 =	sld [smem:$0x3FB3]  }
0x2b: {  	s6 =	sld [smem:$0x3FB4]  }
0x2c: {  	s7 =	sld [smem:$0x3FB5]  }
0x2d: {  	s3 =	simm.s32 $0x108;
	s8 =	sld [smem:$0x3FB6]  }
0x2e: {  	s3 =	simm.s32 @!p0 $0x1082;
	s9 =	sld [smem:$0x3FB7]  }
0x2f: {  	lr =	sadd.s32 s0, s3;
	s0 =	sld [smem:$0x3FAE]  }
0x30: {  	s3 =	sld [smem:$0x3FB1]  }
0x31: {  	[smem:$0x3FBA] =	sst s10  }
0x32: {  	s10 =	sld [smem:$0x3FB8];
	_ =	sdelay $0x3  }
0x33: {  	p0 =	seq.s32 s10, $0x1;
	s10 =	sld [smem:$0x3FBA];
	_ =	sdelay $0x3  }
0x34: {  	[smem:$0x3FBA] =	sst s10  }
0x35: {  	s10 =	sld [smem:$0x3FB9];
	_ =	sdelay $0x3  }
0x36: {  	p1 =	seq.s32 s10, $0x1;
	s10 =	sld [smem:$0x3FBA];
	_ =	sdelay $0x3  }
0x37: {  	[smem:$0x3FBA] =	sst s10  }
0x38: {  	s10 =	sld [smem:$0x3FBB]  }
0x39: {  	_ = 	snop;
	(pc) =	sbr.ind lr, $3  }
0x3a: {  	_ = 	snop  }
0x3b: {  	_ = 	snop  }
0x3c: {  	p2 =	seq.s32 s10, $0x1;
	s10 =	sld [smem:$0x3FBA]  }
0x3d: {  	_ =	shalt  }
0x3e: {  	_ =	shalt  }
0x3f: {  	_ =	shalt  }
0x40: {  	_ =	shalt  }
0x41: {  	_ =	shalt  }
0x42: {  	_ =	shalt  }
0x43: {  	_ =	shalt  }
0x44: {  	_ =	shalt  }
0x45: {  	_ =	shalt  }
0x46: {  	_ =	shalt  }
0x47: {  	_ =	shalt  }
0x48: {  	_ =	shalt  }
0x49: {  	_ =	shalt  }
0x4a: {  	_ =	shalt  }
0x4b: {  	_ =	shalt  }
0x4c: {  	_ =	shalt  }
0x4d: {  	_ =	shalt  }
0x4e: {  	_ =	shalt  }
0x4f: {  	_ =	shalt  }
0x50: {  	_ =	shalt  }
0x51: {  	_ =	shalt  }
0x52: {  	_ =	shalt  }
0x53: {  	_ =	shalt  }
0x54: {  	_ =	shalt  }
0x55: {  	_ =	shalt  }
0x56: {  	_ =	shalt  }
0x57: {  	_ =	shalt  }
0x58: {  	_ =	shalt  }
0x59: {  	_ =	shalt  }
0x5a: {  	_ =	shalt  }
0x5b: {  	_ =	shalt  }
0x5c: {  	_ =	shalt  }
0x5d: {  	_ =	shalt  }
0x5e: {  	_ =	shalt  }
0x5f: {  	_ =	shalt  }
0x60: {  	_ =	shalt  }
0x61: {  	_ =	shalt  }
0x62: {  	_ =	shalt  }
0x63: {  	_ =	shalt  }
0x64: {  	_ =	shalt  }
0x65: {  	_ =	shalt  }
0x66: {  	_ =	shalt  }
0x67: {  	_ =	shalt  }
0x68: {  	_ =	shalt  }
0x69: {  	_ =	shalt  }
0x6a: {  	_ =	shalt  }
0x6b: {  	_ =	shalt  }
0x6c: {  	_ =	shalt  }
0x6d: {  	_ =	shalt  }
0x6e: {  	_ =	shalt  }
0x6f: {  	_ =	shalt  }
0x70: {  	_ =	shalt  }
0x71: {  	_ =	shalt  }
0x72: {  	_ =	shalt  }
0x73: {  	_ =	shalt  }
0x74: {  	_ =	shalt  }
0x75: {  	_ =	shalt  }
0x76: {  	_ =	shalt  }
0x77: {  	_ =	shalt  }
0x78: {  	_ =	shalt  }
0x79: {  	_ =	shalt  }
0x7a: {  	_ =	shalt  }
0x7b: {  	_ =	shalt  }
0x7c: {  	_ =	shalt  }
0x7d: {  	_ =	shalt  }
0x7e: {  	_ =	shalt  }
0x7f: {  	_ =	shalt  }
0x80: {  	_ =	shalt  }
0x81: {  	_ =	shalt  }
0x82: {  	_ =	shalt  }
0x83: {  	_ =	shalt  }
0x84: {  	_ =	shalt  }
0x85: {  	_ =	shalt  }
0x86: {  	_ =	shalt  }
0x87: {  	_ =	shalt  }
.Lfunc_end0:
.L_simem_size_0:
called_computation_lowered:
.L_overlay_start_0:
0x88: {  	s2 =	sld [smem:$0x3FD9]  }
0x89: {  	s3 =	sld [smem:$0x3FFE];
	_ =	sdelay $0x1  }
0x8a: {  	s1 =	srdreg.scid  }
0x8b: {  	s0 =	sand.u32 $0x1, s1  }
0x8c: {  	s17 =	sshll.u32 s0, $0xA;
	s2 =	sadd.s32 s3, s2  }
0x8d: {  	s2 =	sadd.s32 s2, s17  }
0x8e: {  	[smem:$0x3FC6] =	sst s2  }
0x8f: {  	_ = 	snop  }
0x90: {  	s2 =	sld [smem:$0x3FC9]  }
0x91: {  	s18 =	sld [smem:$0x3FC8];
	(tm) =	ssettm $0x1  }
0x92: {  	s4 =	sld [smem:$0x3FFB];
	_ =	sdelay $0x3  }
0x93: {  	_ =	strace s4  }
0x94: {  	s4 =	sld [smem:$0x3FFC];
	_ =	sdelay $0x3  }
0x95: {  	_ =	strace s4  }
0x96: {  	s4 =	sld [smem:$0x3FFD];
	_ =	sdelay $0x3  }
0x97: {  	_ =	strace s4  }
0x98: {  	_ =	strace $0x8FFFFFFF  }
0x99: {  	s19 =	sld [smem:$0x3FDB];
	_ =	sdelay $0x1  }
0x9a: {  	s5 =	simm.s32 $_scs_section_size  }
0x9b: {  	s6 =	simm.s32 $_size__tile_overlayer_lowered;
	s7 =	simm.s32 $_tile_overlayer_lowered  }
0x9c: {  	s22 =	simm.s32 $0x1BFF;
	s21 =	sshll.u32 s7, $0x1;
	s4 =	sadd.s32 s5, s19  }
0x9d: {  	s8 =	simm.s32 $0x0;
	s20 =	sshll.u32 s6, $0x1;
	s6 =	sadd.s32 s21, s4  }
0x9e: {  	[timem:s8], [sflag:s22] =	dma.local [hbm:s6], s20  }
0x9f: {  	_ =	swait.ge [sflag:s22], s20  }
0xa0: {  	s5 =	ssub.s32 $0x0, s20;
	[sflag:s22] =	ssyncset.done $0x0  }
0xa1: {  	[sflag:s22] =	ssyncadd.s32 s5;
	_ =	sdelay $0x1  }
0xa2: {  	s23 =	simm.s32 $0x1B8B  }
0xa3: {  	_ =	swait.ge [sflag:s23], $0x1  }
0xa4: {  	[sflag:s23] =	ssyncset.done $0x0  }
0xa5: {  	s25 =	simm.s32 $0x1B8E;
	s24 =	sld [smem:$0x3FFE];
	[sflag:s23] =	ssyncadd.s32 $0xFFFFFFFF  }
0xa6: {  	s26 =	simm.s32 $execute0_lowered;
	[smem:$0x3FD2] =	sst s25  }
0xa7: {  	s6 =	sshll.u32 s26, $0x1;
	_ =	strace $0x80000046;
	[dreg:$0x1] =	wrdreg $0xFFFFFFFF  }
0xa8: {  	s28 =	simm.s32 $_size_execute0_lowered;
	s4 =	sadd.s32 s4, s6;
	[dreg:$0x0] =	wrdreg $0x0  }
0xa9: {  	s6 =	sshll.u32 s28, $0x1;
	[dreg:$0x2] =	wrdreg s4  }
0xaa: {  	[dreg:$0x3] =	wrdreg s6  }
0xab: {  	[dreg:$0x4] =	wrdreg $0xC0  }
0xac: {  	_ =	task [dreg:s8], $0x5FFFF  }
0xad: {  	[dreg:$0x1] =	wrdreg $0xFFFFFFFF  }
0xae: {  	[dreg:$0x0] =	wrdreg $0x60  }
0xaf: {  	[dreg:$0x2] =	wrdreg s2  }
0xb0: {  	[dreg:$0x3] =	wrdreg s18  }
0xb1: {  	[dreg:$0x4] =	wrdreg s24  }
0xb2: {  	[dreg:$0x5] =	wrdreg $0x9  }
0xb3: {  	_ =	task.clear_ibuf [dreg:s8], $0x6FFFF;
	_ =	strace $0x90000046  }
0xb4: {  	s29 =	simm.s32 $0x9;
	_ =	strace $0x80000048  }
0xb5: {  	_ =	swait.ge [sflag:s29], $0x1  }
0xb6: {  	[sflag:s29] =	ssyncadd.s32 $0xFFFFFFFF  }
0xb7: {  	_ =	strace $0x90000048  }
0xb8: {  	_ =	sfence  }
0xb9: {  	s30 =	sld [smem:$0x0];
	_ =	sdelay $0x2  }
0xba: {  	s31 =	sshll.u32 s1, $0xD;
	s1 =	sshrl.u32 s1, $0x2  }
0xbb: {  	s3 =	sand.u32 $0x4000, s31;
	s1 =	sadd.s32 s1, s30  }
0xbc: {  	s0 =	sor.u32 s3, s0;
	s1 =	sshll.u32 s1, $0x11  }
0xbd: {  	s0 =	sor.u32 s1, s0  }
0xbe: {  	s0 =	sadd.s32 $0x8F2B, s0  }
0xbf: {  	[sflag:s0] =	ssyncadd.remote.s32 $0x1  }
0xc0: {  	_ =	sfence.sel $0xFFFF  }
0xc1: {  	[dreg:$0x0] =	wrdreg $0xFFFFFFFF;
	(pc) =	sbr.abs _section_cstart, $3  }
0xc2: {  	[dreg:$0x1] =	wrdreg $0xFFFFFFFF  }
0xc3: {  	_ =	task.clear_ibuf [dreg:s8], $0x2FFFF;
	_ =	strace $0x9FFFFFFF  }
0xc4: {  	(tm) =	ssettm $0x7FFFFFFF  }
0xc5: {  	_ =	shalt  }
tec
execute0_lowered:
.L_overlay_start_1:
0x0: {  	(tag) =	ssettag $0x1  }
0x1: {  	s0 =	srdreg.scid;
	s1 =	rddreg [dreg:$0x0]  }
0x2: {  	s2 =	rddreg [dreg:$0x1];
	s9 =	stileid.u32  }
0x3: {  	s4 =	rddreg [dreg:$0x2];
	s16 =	simm.s32 $0x32;
	s28 =	simm.s32 $0xA800  }
0x4: {  	s30 =	simm.s32 $0xC400;
	s29 =	simm.s32 $0x7;
	s31 =	simm.s32 $0x8  }
0x5: {  	s10 =	simm.s32 $0xF;
	s11 =	simm.s32 $0x10;
	s13 =	simm.s32 $0x0  }
0x6: {  	s0 =	sand.u32 $0x1, s0;
	s4 =	sadd.s32 $0x400, s4;
	s23 =	smul.u32 $0x1C000, s9  }
0x7: {  	s3 =	sshll.u32 s0, $0x4;
	s7 =	ssub.s32 $0x2, s0;
	s0 =	smul.u32 $0x1C0000, s0  }
0x8: {  	s5 =	sor.u32 s9, s3;
	s3 =	simm.s32 $0x0;
	s8 =	sshrl.u32 s7, $0x1  }
0x9: {  	s9 =	simm.s32 $0xE;
	s6 =	smul.u32 $0xE0000, s5;
	[smem:$0x7FF] =	sst s3  }
0xa: {  	s5 =	smul.u32 $0x380, s5;
	s7 =	ssub.s32 s7, s8;
	s0 =	sadd.s32 s0, s4  }
0xb: {  	s8 =	simm.s32 $0xD;
	_ =	strace $0x80000047;
	s26 =	smax.u32 s7, $0x1  }
0xc: {  	s0 =	sadd.s32 s23, s0;
	s6 =	sshrl.u32 s6, $0x3;
	[dreg:$0xd] =	wrdreg s26  }
0xd: {  	s1 =	sadd.s32 s1, s5;
	[dreg:$0xe] =	wrdreg s0;
	s6 =	sadd.s32 s4, s6  }
0xe: {  	s23 =	simm.s32 $0x7000;
	[dreg:$0x4] =	wrdreg s1;
	s17 =	sadd.s32 $0x1A400, s6  }
0xf: {  	s7 =	simm.s32 $0xC;
	s18 =	sadd.s32 $0x1A780, s6;
	[dreg:$0x5] =	wrdreg s17  }
0x10: {  	s0 =	simm.s32 $0x1;
	s19 =	sadd.s32 $0x1AB00, s6;
	[dreg:$0x6] =	wrdreg s18  }
0x11: {  	s26 =	simm.s32 $0x6;
	s20 =	sadd.s32 $0x1AE80, s6;
	[dreg:$0x7] =	wrdreg s19  }
0x12: {  	s5 =	simm.s32 $0xA;
	s21 =	sadd.s32 $0x1B200, s6;
	[dreg:$0x8] =	wrdreg s20  }
0x13: {  	s1 =	simm.s32 $0xE000;
	s22 =	sadd.s32 $0x1B580, s6;
	[dreg:$0x9] =	wrdreg s21  }
0x14: {  	s4 =	simm.s32 $0x9;
	s24 =	sadd.s32 $0x1B900, s6;
	[dreg:$0xa] =	wrdreg s22  }
0x15: {  	s25 =	sadd.s32 $0x1BC80, s6;
	s6 =	simm.s32 $0xB;
	[dreg:$0xb] =	wrdreg s24  }
0x16: {  	[dreg:$0xc] =	wrdreg s25;
	s17 =	simm.s32 $0x1C00;
	s19 =	simm.s32 $0x3800  }
0x17: {  	s21 =	simm.s32 $0x5400;
	s25 =	simm.s32 $0x8C00;
	s18 =	simm.s32 $0x2  }
0x18: {  	s20 =	simm.s32 $0x3;
	s22 =	simm.s32 $0x4;
	s24 =	simm.s32 $0x5  }
.LBB2_1:
0x19: {  	[dreg:$0xf] =	wrdreg s13  }
0x1a: {  	s12 =	rddreg [dreg:$0x4];
	s14 =	simm.s32 $0x11  }
0x1b: {  	[tilespmem:s3], [sflag:$0x11] =	stream.linear.gather [hbm4b:s12+s3], $0x1C00, $0x38;
	[tilespmem:$0xFC00] =	vst v63  }
0x1c: {  	_ =	swait.ge [sflag:s14], $0x1C00  }
0x1d: {  	[sflag:s14] =	ssyncset.done $0x0  }
0x1e: {  	[sflag:s14] =	ssyncadd.s32 $0xFFFFE400  }
0x1f: {  	[tilespmem:s17], [sflag:$0x1] =	stream.indirect.gather [hbm4b:s2+s16], $0x80, s3, s16, $0xb8;
	[tilespmem:$0xFC00] =	vst v63  }
0x20: {  	s15 =	simm.s32 $0x38  }
0x21: {  	[tilespmem:s19], [sflag:$0x2] =	stream.indirect.gather [hbm4b:s2+s16], $0x80, s15, s16, $0xb8;
	[tilespmem:$0xFC00] =	vst v63  }
0x22: {  	s13 =	simm.s32 $0x70  }
0x23: {  	[tilespmem:s21], [sflag:$0x3] =	stream.indirect.gather [hbm4b:s2+s16], $0x80, s13, s16, $0xb8;
	[tilespmem:$0xFC00] =	vst v63  }
0x24: {  	s14 =	simm.s32 $0xA8  }
0x25: {  	[tilespmem:s23], [sflag:$0x4] =	stream.indirect.gather [hbm4b:s2+s16], $0x80, s14, s16, $0xb8;
	[tilespmem:$0xFC00] =	vst v63  }
0x26: {  	s15 =	simm.s32 $0xE0  }
0x27: {  	[tilespmem:s25], [sflag:$0x5] =	stream.indirect.gather [hbm4b:s2+s16], $0x80, s15, s16, $0xb8;
	[tilespmem:$0xFC00] =	vst v63  }
0x28: {  	s13 =	simm.s32 $0x118  }
0x29: {  	[tilespmem:s28], [sflag:$0x6] =	stream.indirect.gather [hbm4b:s2+s16], $0x80, s13, s16, $0xb8;
	[tilespmem:$0xFC00] =	vst v63  }
0x2a: {  	s14 =	simm.s32 $0x150  }
0x2b: {  	[tilespmem:s30], [sflag:$0x7] =	stream.indirect.gather [hbm4b:s2+s16], $0x80, s14, s16, $0xb8;
	[tilespmem:$0xFC00] =	vst v63  }
0x2c: {  	s15 =	simm.s32 $0x188  }
0x2d: {  	[tilespmem:s1], [sflag:$0x8] =	stream.indirect.gather [hbm4b:s2+s16], $0x80, s15, s16, $0xb8;
	[tilespmem:$0xFC00] =	vst v63  }
0x2e: {  	_ =	swait.ge [sflag:s0], $0x1900  }
0x2f: {  	[sflag:s0] =	ssyncset.done $0x0  }
0x30: {  	s14 =	rddreg [dreg:$0xe];
	[sflag:s0] =	ssyncadd.s32 $0xFFFFE700  }
0x31: {  	[hbm4b:s14+s3] =	stream.linear.scatter [tilespmem:s17], [sflag:$0x9], $0x1900, $0x38;
	[tilespmem:$0xFC00] =	vst v63  }
0x32: {  	_ =	swait.ge [sflag:s18], $0x1900  }
0x33: {  	[sflag:s18] =	ssyncset.done $0x0  }
0x34: {  	s13 =	sadd.s32 $0x380, s14;
	[sflag:s18] =	ssyncadd.s32 $0xFFFFE700  }
0x35: {  	[hbm4b:s13+s3] =	stream.linear.scatter [tilespmem:s19], [sflag:$0xA], $0x1900, $0x38;
	[tilespmem:$0xFC00] =	vst v63  }
0x36: {  	_ =	swait.ge [sflag:s20], $0x1900  }
0x37: {  	[sflag:s20] =	ssyncset.done $0x0  }
0x38: {  	s15 =	sadd.s32 $0x700, s14;
	[sflag:s20] =	ssyncadd.s32 $0xFFFFE700  }
0x39: {  	[hbm4b:s15+s3] =	stream.linear.scatter [tilespmem:s21], [sflag:$0xB], $0x1900, $0x38;
	[tilespmem:$0xFC00] =	vst v63  }
0x3a: {  	_ =	swait.ge [sflag:s22], $0x1900  }
0x3b: {  	[sflag:s22] =	ssyncset.done $0x0  }
0x3c: {  	s13 =	sadd.s32 $0xA80, s14;
	[sflag:s22] =	ssyncadd.s32 $0xFFFFE700  }
0x3d: {  	[hbm4b:s13+s3] =	stream.linear.scatter [tilespmem:s23], [sflag:$0xC], $0x1900, $0x38;
	[tilespmem:$0xFC00] =	vst v63  }
0x3e: {  	_ =	swait.ge [sflag:s24], $0x1900  }
0x3f: {  	[sflag:s24] =	ssyncset.done $0x0  }
0x40: {  	s15 =	sadd.s32 $0xE00, s14;
	[sflag:s24] =	ssyncadd.s32 $0xFFFFE700  }
0x41: {  	[hbm4b:s15+s3] =	stream.linear.scatter [tilespmem:s25], [sflag:$0xD], $0x1900, $0x38;
	[tilespmem:$0xFC00] =	vst v63  }
0x42: {  	_ =	swait.ge [sflag:s26], $0x1900  }
0x43: {  	[sflag:s26] =	ssyncset.done $0x0  }
0x44: {  	s13 =	sadd.s32 $0x1180, s14;
	[sflag:s26] =	ssyncadd.s32 $0xFFFFE700  }
0x45: {  	[hbm4b:s13+s3] =	stream.linear.scatter [tilespmem:s28], [sflag:$0xE], $0x1900, $0x38;
	[tilespmem:$0xFC00] =	vst v63  }
0x46: {  	_ =	swait.ge [sflag:s29], $0x1900  }
0x47: {  	[sflag:s29] =	ssyncset.done $0x0  }
0x48: {  	s15 =	sadd.s32 $0x1500, s14;
	[sflag:s29] =	ssyncadd.s32 $0xFFFFE700  }
0x49: {  	[hbm4b:s15+s3] =	stream.linear.scatter [tilespmem:s30], [sflag:$0xF], $0x1900, $0x38;
	[tilespmem:$0xFC00] =	vst v63  }
0x4a: {  	_ =	swait.ge [sflag:s31], $0x1900  }
0x4b: {  	[sflag:s31] =	ssyncset.done $0x0  }
0x4c: {  	s13 =	sadd.s32 $0x1880, s14;
	[sflag:s31] =	ssyncadd.s32 $0xFFFFE700  }
0x4d: {  	[hbm4b:s13+s3] =	stream.linear.scatter [tilespmem:s1], [sflag:$0x10], $0x1900, $0x38;
	[tilespmem:$0xFC00] =	vst v63  }
0x4e: {  	_ =	swait.ge [sflag:s4], $0x1900  }
0x4f: {  	[sflag:s4] =	ssyncset.done $0x0  }
0x50: {  	s15 =	simm.s32 $0x1C0;
	[sflag:s4] =	ssyncadd.s32 $0xFFFFE700  }
0x51: {  	[tilespmem:s17], [sflag:$0x1] =	stream.indirect.gather [hbm4b:s2+s16], $0x80, s15, s16, $0xb8;
	[tilespmem:$0xFC00] =	vst v63  }
0x52: {  	_ =	swait.ge [sflag:s5], $0x1900  }
0x53: {  	[sflag:s5] =	ssyncset.done $0x0  }
0x54: {  	s13 =	simm.s32 $0x1F8;
	[sflag:s5] =	ssyncadd.s32 $0xFFFFE700  }
0x55: {  	[tilespmem:s19], [sflag:$0x2] =	stream.indirect.gather [hbm4b:s2+s16], $0x80, s13, s16, $0xb8;
	[tilespmem:$0xFC00] =	vst v63  }
0x56: {  	_ =	swait.ge [sflag:s6], $0x1900  }
0x57: {  	[sflag:s6] =	ssyncset.done $0x0  }
0x58: {  	s15 =	simm.s32 $0x230;
	[sflag:s6] =	ssyncadd.s32 $0xFFFFE700  }
0x59: {  	[tilespmem:s21], [sflag:$0x3] =	stream.indirect.gather [hbm4b:s2+s16], $0x80, s15, s16, $0xb8;
	[tilespmem:$0xFC00] =	vst v63  }
0x5a: {  	_ =	swait.ge [sflag:s7], $0x1900  }
0x5b: {  	[sflag:s7] =	ssyncset.done $0x0  }
0x5c: {  	s13 =	simm.s32 $0x268;
	[sflag:s7] =	ssyncadd.s32 $0xFFFFE700  }
0x5d: {  	[tilespmem:s23], [sflag:$0x4] =	stream.indirect.gather [hbm4b:s2+s16], $0x80, s13, s16, $0xb8;
	[tilespmem:$0xFC00] =	vst v63  }
0x5e: {  	_ =	swait.ge [sflag:s8], $0x1900  }
0x5f: {  	[sflag:s8] =	ssyncset.done $0x0  }
0x60: {  	s15 =	simm.s32 $0x2A0;
	[sflag:s8] =	ssyncadd.s32 $0xFFFFE700  }
0x61: {  	[tilespmem:s25], [sflag:$0x5] =	stream.indirect.gather [hbm4b:s2+s16], $0x80, s15, s16, $0xb8;
	[tilespmem:$0xFC00] =	vst v63  }
0x62: {  	_ =	swait.ge [sflag:s9], $0x1900  }
0x63: {  	[sflag:s9] =	ssyncset.done $0x0  }
0x64: {  	s13 =	simm.s32 $0x2D8;
	[sflag:s9] =	ssyncadd.s32 $0xFFFFE700  }
0x65: {  	[tilespmem:s28], [sflag:$0x6] =	stream.indirect.gather [hbm4b:s2+s16], $0x80, s13, s16, $0xb8;
	[tilespmem:$0xFC00] =	vst v63  }
0x66: {  	_ =	swait.ge [sflag:s10], $0x1900  }
0x67: {  	[sflag:s10] =	ssyncset.done $0x0  }
0x68: {  	s15 =	simm.s32 $0x310;
	[sflag:s10] =	ssyncadd.s32 $0xFFFFE700  }
0x69: {  	[tilespmem:s30], [sflag:$0x7] =	stream.indirect.gather [hbm4b:s2+s16], $0x80, s15, s16, $0xb8;
	[tilespmem:$0xFC00] =	vst v63  }
0x6a: {  	_ =	swait.ge [sflag:s11], $0x1900  }
0x6b: {  	s12 =	simm.s32 $0x348;
	[sflag:s11] =	ssyncset.done $0x0  }
0x6c: {  	s13 =	simm.s32 $0x700;
	s15 =	sadd.s32 $0x1C00, s14;
	[sflag:s11] =	ssyncadd.s32 $0xFFFFE700  }
.LBB2_2:
0x6d: {  	[tilespmem:s1], [sflag:$0x8] =	stream.indirect.gather [hbm4b:s2+s16], $0x80, s12, s16, $0xb8;
	[tilespmem:$0xFC00] =	vst v63  }
0x6e: {  	s12 =	smov.u32 s13  }
0x6f: {  	p0 =	sne.s32 s13, $0x6200;
	s13 =	sadd.s32 $0x700, s13;
	_ =	swait.ge [sflag:s0], $0x1900  }
0x70: {  	[sflag:s0] =	ssyncset.done $0x0  }
0x71: {  	[sflag:s0] =	ssyncadd.s32 $0xFFFFE700  }
0x72: {  	[hbm4b:s15+s3] =	stream.linear.scatter [tilespmem:s17], [sflag:$0x9], $0x1900, $0x38;
	[tilespmem:$0xFC00] =	vst v63  }
0x73: {  	_ =	swait.ge [sflag:s18], $0x1900  }
0x74: {  	[sflag:s18] =	ssyncset.done $0x0  }
0x75: {  	s14 =	sadd.s32 $0x380, s15;
	[sflag:s18] =	ssyncadd.s32 $0xFFFFE700  }
0x76: {  	[hbm4b:s14+s3] =	stream.linear.scatter [tilespmem:s19], [sflag:$0xA], $0x1900, $0x38;
	[tilespmem:$0xFC00] =	vst v63  }
0x77: {  	_ =	swait.ge [sflag:s20], $0x1900  }
0x78: {  	[sflag:s20] =	ssyncset.done $0x0  }
0x79: {  	s14 =	sadd.s32 $0x700, s15;
	[sflag:s20] =	ssyncadd.s32 $0xFFFFE700  }
0x7a: {  	[hbm4b:s14+s3] =	stream.linear.scatter [tilespmem:s21], [sflag:$0xB], $0x1900, $0x38;
	[tilespmem:$0xFC00] =	vst v63  }
0x7b: {  	_ =	swait.ge [sflag:s22], $0x1900  }
0x7c: {  	[sflag:s22] =	ssyncset.done $0x0  }
0x7d: {  	s14 =	sadd.s32 $0xA80, s15;
	[sflag:s22] =	ssyncadd.s32 $0xFFFFE700  }
0x7e: {  	[hbm4b:s14+s3] =	stream.linear.scatter [tilespmem:s23], [sflag:$0xC], $0x1900, $0x38;
	[tilespmem:$0xFC00] =	vst v63  }
0x7f: {  	_ =	swait.ge [sflag:s24], $0x1900  }
0x80: {  	[sflag:s24] =	ssyncset.done $0x0  }
0x81: {  	s14 =	sadd.s32 $0xE00, s15;
	[sflag:s24] =	ssyncadd.s32 $0xFFFFE700  }
0x82: {  	[hbm4b:s14+s3] =	stream.linear.scatter [tilespmem:s25], [sflag:$0xD], $0x1900, $0x38;
	[tilespmem:$0xFC00] =	vst v63  }
0x83: {  	_ =	swait.ge [sflag:s26], $0x1900  }
0x84: {  	[sflag:s26] =	ssyncset.done $0x0  }
0x85: {  	s14 =	sadd.s32 $0x1180, s15;
	[sflag:s26] =	ssyncadd.s32 $0xFFFFE700  }
0x86: {  	[hbm4b:s14+s3] =	stream.linear.scatter [tilespmem:s28], [sflag:$0xE], $0x1900, $0x38;
	[tilespmem:$0xFC00] =	vst v63  }
0x87: {  	_ =	swait.ge [sflag:s29], $0x1900  }
0x88: {  	[sflag:s29] =	ssyncset.done $0x0  }
0x89: {  	s14 =	sadd.s32 $0x1500, s15;
	[sflag:s29] =	ssyncadd.s32 $0xFFFFE700  }
0x8a: {  	[hbm4b:s14+s3] =	stream.linear.scatter [tilespmem:s30], [sflag:$0xF], $0x1900, $0x38;
	[tilespmem:$0xFC00] =	vst v63  }
0x8b: {  	_ =	swait.ge [sflag:s31], $0x1900  }
0x8c: {  	[sflag:s31] =	ssyncset.done $0x0  }
0x8d: {  	s14 =	sadd.s32 $0x1880, s15;
	[sflag:s31] =	ssyncadd.s32 $0xFFFFE700  }
0x8e: {  	[hbm4b:s14+s3] =	stream.linear.scatter [tilespmem:s1], [sflag:$0x10], $0x1900, $0x38;
	[tilespmem:$0xFC00] =	vst v63  }
0x8f: {  	_ =	swait.ge [sflag:s4], $0x1900  }
0x90: {  	s12 =	sshra.s32 s12, $0x2;
	[sflag:s4] =	ssyncset.done $0x0  }
0x91: {  	s14 =	sadd.s32 $0x1C0, s12;
	[sflag:s4] =	ssyncadd.s32 $0xFFFFE700  }
0x92: {  	[tilespmem:s17], [sflag:$0x1] =	stream.indirect.gather [hbm4b:s2+s16], $0x80, s14, s16, $0xb8;
	[tilespmem:$0xFC00] =	vst v63  }
0x93: {  	_ =	swait.ge [sflag:s5], $0x1900  }
0x94: {  	[sflag:s5] =	ssyncset.done $0x0  }
0x95: {  	s14 =	sadd.s32 $0x1F8, s12;
	[sflag:s5] =	ssyncadd.s32 $0xFFFFE700  }
0x96: {  	[tilespmem:s19], [sflag:$0x2] =	stream.indirect.gather [hbm4b:s2+s16], $0x80, s14, s16, $0xb8;
	[tilespmem:$0xFC00] =	vst v63  }
0x97: {  	_ =	swait.ge [sflag:s6], $0x1900  }
0x98: {  	[sflag:s6] =	ssyncset.done $0x0  }
0x99: {  	s14 =	sadd.s32 $0x230, s12;
	[sflag:s6] =	ssyncadd.s32 $0xFFFFE700  }
0x9a: {  	[tilespmem:s21], [sflag:$0x3] =	stream.indirect.gather [hbm4b:s2+s16], $0x80, s14, s16, $0xb8;
	[tilespmem:$0xFC00] =	vst v63  }
0x9b: {  	_ =	swait.ge [sflag:s7], $0x1900  }
0x9c: {  	[sflag:s7] =	ssyncset.done $0x0  }
0x9d: {  	s14 =	sadd.s32 $0x268, s12;
	[sflag:s7] =	ssyncadd.s32 $0xFFFFE700  }
0x9e: {  	[tilespmem:s23], [sflag:$0x4] =	stream.indirect.gather [hbm4b:s2+s16], $0x80, s14, s16, $0xb8;
	[tilespmem:$0xFC00] =	vst v63  }
0x9f: {  	_ =	swait.ge [sflag:s8], $0x1900  }
0xa0: {  	[sflag:s8] =	ssyncset.done $0x0  }
0xa1: {  	s14 =	sadd.s32 $0x2A0, s12;
	[sflag:s8] =	ssyncadd.s32 $0xFFFFE700  }
0xa2: {  	[tilespmem:s25], [sflag:$0x5] =	stream.indirect.gather [hbm4b:s2+s16], $0x80, s14, s16, $0xb8;
	[tilespmem:$0xFC00] =	vst v63  }
0xa3: {  	_ =	swait.ge [sflag:s9], $0x1900  }
0xa4: {  	[sflag:s9] =	ssyncset.done $0x0  }
0xa5: {  	s14 =	sadd.s32 $0x2D8, s12;
	[sflag:s9] =	ssyncadd.s32 $0xFFFFE700  }
0xa6: {  	[tilespmem:s28], [sflag:$0x6] =	stream.indirect.gather [hbm4b:s2+s16], $0x80, s14, s16, $0xb8;
	[tilespmem:$0xFC00] =	vst v63  }
0xa7: {  	_ =	swait.ge [sflag:s10], $0x1900  }
0xa8: {  	[sflag:s10] =	ssyncset.done $0x0  }
.Ltmp0:
0xa9: {  	s14 =	sadd.s32 $0x310, s12;
	[sflag:s10] =	ssyncadd.s32 $0xFFFFE700;
	(pc) =	sbr.rel @p0 .LBB2_2-.Ltmp0, $4  }
0xaa: {  	[tilespmem:s30], [sflag:$0x7] =	stream.indirect.gather [hbm4b:s2+s16], $0x80, s14, s16, $0xb8;
	[tilespmem:$0xFC00] =	vst v63  }
0xab: {  	_ =	swait.ge [sflag:s11], $0x1900  }
0xac: {  	[sflag:s11] =	ssyncset.done $0x0  }
0xad: {  	s15 =	sadd.s32 $0x1C00, s15;
	s12 =	sadd.s32 $0x348, s12;
	[sflag:s11] =	ssyncadd.s32 $0xFFFFE700  }
0xae: {  	[tilespmem:s1], [sflag:$0x8] =	stream.indirect.gather [hbm4b:s2+s16], $0x80, s12, s16, $0xb8;
	[tilespmem:$0xFC00] =	vst v63  }
0xaf: {  	_ =	swait.ge [sflag:s0], $0x1900  }
0xb0: {  	[sflag:s0] =	ssyncset.done $0x0  }
0xb1: {  	s13 =	rddreg [dreg:$0x5];
	[sflag:s0] =	ssyncadd.s32 $0xFFFFE700  }
0xb2: {  	[hbm4b:s13+s3] =	stream.linear.scatter [tilespmem:s17], [sflag:$0x9], $0x1900, $0x38;
	[tilespmem:$0xFC00] =	vst v63  }
0xb3: {  	_ =	swait.ge [sflag:s18], $0x1900  }
0xb4: {  	[sflag:s18] =	ssyncset.done $0x0  }
0xb5: {  	s14 =	rddreg [dreg:$0x6];
	[sflag:s18] =	ssyncadd.s32 $0xFFFFE700  }
0xb6: {  	[hbm4b:s14+s3] =	stream.linear.scatter [tilespmem:s19], [sflag:$0xA], $0x1900, $0x38;
	[tilespmem:$0xFC00] =	vst v63  }
0xb7: {  	_ =	swait.ge [sflag:s20], $0x1900  }
0xb8: {  	[sflag:s20] =	ssyncset.done $0x0  }
0xb9: {  	s15 =	rddreg [dreg:$0x7];
	[sflag:s20] =	ssyncadd.s32 $0xFFFFE700  }
0xba: {  	[hbm4b:s15+s3] =	stream.linear.scatter [tilespmem:s21], [sflag:$0xB], $0x1900, $0x38;
	[tilespmem:$0xFC00] =	vst v63  }
0xbb: {  	_ =	swait.ge [sflag:s22], $0x1900  }
0xbc: {  	[sflag:s22] =	ssyncset.done $0x0  }
0xbd: {  	s13 =	rddreg [dreg:$0x8];
	[sflag:s22] =	ssyncadd.s32 $0xFFFFE700  }
0xbe: {  	[hbm4b:s13+s3] =	stream.linear.scatter [tilespmem:s23], [sflag:$0xC], $0x1900, $0x38;
	[tilespmem:$0xFC00] =	vst v63  }
0xbf: {  	_ =	swait.ge [sflag:s24], $0x1900  }
0xc0: {  	[sflag:s24] =	ssyncset.done $0x0  }
0xc1: {  	s14 =	rddreg [dreg:$0x9];
	[sflag:s24] =	ssyncadd.s32 $0xFFFFE700  }
0xc2: {  	[hbm4b:s14+s3] =	stream.linear.scatter [tilespmem:s25], [sflag:$0xD], $0x1900, $0x38;
	[tilespmem:$0xFC00] =	vst v63  }
0xc3: {  	_ =	swait.ge [sflag:s26], $0x1900  }
0xc4: {  	[sflag:s26] =	ssyncset.done $0x0  }
0xc5: {  	s15 =	rddreg [dreg:$0xa];
	[sflag:s26] =	ssyncadd.s32 $0xFFFFE700  }
0xc6: {  	[hbm4b:s15+s3] =	stream.linear.scatter [tilespmem:s28], [sflag:$0xE], $0x1900, $0x38;
	[tilespmem:$0xFC00] =	vst v63  }
0xc7: {  	_ =	swait.ge [sflag:s29], $0x1900  }
0xc8: {  	[sflag:s29] =	ssyncset.done $0x0  }
0xc9: {  	s13 =	rddreg [dreg:$0xb];
	[sflag:s29] =	ssyncadd.s32 $0xFFFFE700  }
0xca: {  	[hbm4b:s13+s3] =	stream.linear.scatter [tilespmem:s30], [sflag:$0xF], $0x1900, $0x38;
	[tilespmem:$0xFC00] =	vst v63  }
0xcb: {  	_ =	swait.ge [sflag:s31], $0x1900  }
0xcc: {  	[sflag:s31] =	ssyncset.done $0x0  }
0xcd: {  	s14 =	rddreg [dreg:$0xc];
	[sflag:s31] =	ssyncadd.s32 $0xFFFFE700  }
0xce: {  	[hbm4b:s14+s3] =	stream.linear.scatter [tilespmem:s1], [sflag:$0x10], $0x1900, $0x38;
	[tilespmem:$0xFC00] =	vst v63  }
0xcf: {  	_ =	swait.ge [sflag:s4], $0x1900  }
0xd0: {  	[sflag:s4] =	ssyncset.done $0x0  }
0xd1: {  	[sflag:s4] =	ssyncadd.s32 $0xFFFFE700  }
0xd2: {  	_ =	swait.ge [sflag:s5], $0x1900  }
0xd3: {  	[sflag:s5] =	ssyncset.done $0x0  }
0xd4: {  	[sflag:s5] =	ssyncadd.s32 $0xFFFFE700  }
0xd5: {  	_ =	swait.ge [sflag:s6], $0x1900  }
0xd6: {  	[sflag:s6] =	ssyncset.done $0x0  }
0xd7: {  	[sflag:s6] =	ssyncadd.s32 $0xFFFFE700  }
0xd8: {  	_ =	swait.ge [sflag:s7], $0x1900  }
0xd9: {  	[sflag:s7] =	ssyncset.done $0x0  }
0xda: {  	[sflag:s7] =	ssyncadd.s32 $0xFFFFE700  }
0xdb: {  	_ =	swait.ge [sflag:s8], $0x1900  }
0xdc: {  	[sflag:s8] =	ssyncset.done $0x0  }
0xdd: {  	[sflag:s8] =	ssyncadd.s32 $0xFFFFE700  }
0xde: {  	_ =	swait.ge [sflag:s9], $0x1900  }
0xdf: {  	[sflag:s9] =	ssyncset.done $0x0  }
0xe0: {  	[sflag:s9] =	ssyncadd.s32 $0xFFFFE700  }
0xe1: {  	_ =	swait.ge [sflag:s10], $0x1900  }
0xe2: {  	[sflag:s10] =	ssyncset.done $0x0  }
0xe3: {  	[sflag:s10] =	ssyncadd.s32 $0xFFFFE700  }
0xe4: {  	_ =	swait.ge [sflag:s11], $0x1900  }
0xe5: {  	s13 =	rddreg [dreg:$0xf]  }
0xe6: {  	s15 =	rddreg [dreg:$0xd];
	s13 =	sadd.s32 $0x1, s13  }
0xe7: {  	p0 =	sne.s32 s13, s15  }
.Ltmp1:
0xe8: {  	_ = 	snop;
	(pc) =	sbr.rel @p0 .LBB2_1-.Ltmp1, $3  }
0xe9: {  	_ =	sdelay $0x1  }
0xea: {  	[sflag:s11] =	ssyncset.done $0x0  }
0xeb: {  	[sflag:s11] =	ssyncadd.s32 $0xFFFFE700  }
0xec: {  	_ =	sfence.sel $0x180000  }
0xed: {  	[bflag:$0x0] =	sbarrier.arrive $0xFFFF  }
0xee: {  	_ =	strace $0x90000047  }
0xef: {  	s0 =	stileid.u32;
	[bflag:$0x2] =	sbarrier.arrive $0xFFFF  }
0xf0: {  	p0 =	sne.s32 s0, $0x0;
	s0 =	rddreg [dreg:$0x3]  }
0xf1: {  	s0 =	sadd.s32 @!p0 $0x100000, s0  }
0xf2: {  	[sflag:s0] =	ssyncadd.tile.s32 @!p0 $0x1;
	_ =	shalt  }
.Lfunc_end2:
_tile_overlayer_lowered:
.L_overlay_start_2:
0xf3: {  	(tag) =	ssettag $0x2  }
0xf4: {  	s0 =	rddreg [dreg:$0x0];
	s2 =	stileid.u32  }
0xf5: {  	s1 =	rddreg [dreg:$0x1];
	p0 =	sne.s32 s2, $0x0  }
0xf6: {  	s3 =	rddreg [dreg:$0x2];
	[bflag:$0x3] =	sbarrier.arrive $0xFFFF;
	s2 =	simm.s32 @!p0 $0x1C11  }
0xf7: {  	[timem:s3], [sflag:s2] =	dma.local @!p0 [hbm:s0], s1  }
0xf8: {  	s0 =	simm.s32 @!p0 $0x11  }
0xf9: {  	_ =	swait.ge @!p0 [sflag:s0], s1  }
0xfa: {  	s1 =	ssub.s32 @!p0 $0x0, s1;
	[sflag:s0] =	ssyncset.done @!p0 $0x0  }
0xfb: {  	[sflag:s0] =	ssyncadd.s32 @!p0 s1  }
0xfc: {  	[bflag:$0x3] =	sbarrier.arrive $0xFFFF  }
0xfd: {  	_ =	shalt  }

</sc_bundles>
